<compile_context>
chip_gen: v7x
topology: tpu7x:2x2x1
jax: 0.10.2.dev20260603
libtpu: 0.0.44.dev20260713+nightly
codegen_flags: <defaults>
</compile_context>

<pallas_src>
import functools

import jax
import jax.numpy as jnp
from jax import lax
from jax.experimental import pallas as pl
from jax.experimental.pallas import tpu as pltpu
from jax.experimental.pallas import tpu_sc as plsc

_NUM_CLASSES = 1000
_C_PAD = 1024
_N = 320000
_D = 128
_CHUNK = 256
_SUB = 128
_NSUB = _CHUNK // _SUB
_NCHUNKS = _N // _CHUNK
_NC = 2
_NS = 16
_NW = _NC * _NS
_CPW = _NCHUNKS // _NW
_MAX_CPW = _CPW + 1
_NROUNDS = -(-_MAX_CPW // 3)
_ROWS_PER_TILE = _C_PAD // _NS

_mesh = plsc.VectorSubcoreMesh(core_axis_name="c", subcore_axis_name="s")


@functools.partial(
    pl.kernel,
    out_type=(
        jax.ShapeDtypeStruct((_NC, _C_PAD, _D), jnp.float32),
        jax.ShapeDtypeStruct((_NW, _C_PAD), jnp.float32),
    ),
    mesh=_mesh,
    compiler_params=pltpu.CompilerParams(needs_layout_passes=False),
    scratch_types=[
        pltpu.VMEM((_CHUNK, _D), jnp.float32),
        pltpu.VMEM((_CHUNK, _D), jnp.float32),
        pltpu.VMEM((_CHUNK, _D), jnp.float32),
        pltpu.VMEM((_SUB,), jnp.int32),
        pltpu.VMEM((_SUB,), jnp.int32),
        pltpu.VMEM((_SUB,), jnp.int32),
        pltpu.VMEM((_SUB,), jnp.int32),
        pltpu.VMEM((_SUB,), jnp.int32),
        pltpu.VMEM((_SUB,), jnp.int32),
        pltpu.VMEM((_C_PAD,), jnp.float32),
        pltpu.VMEM_SHARED((_C_PAD, _D), jnp.float32),
        pltpu.SemaphoreType.DMA,
        pltpu.SemaphoreType.DMA,
        pltpu.SemaphoreType.DMA,
        pltpu.SemaphoreType.DMA,
        pltpu.SemaphoreType.DMA,
        pltpu.SemaphoreType.DMA,
    ],
)
def _segment_sums(feat, lab1d, zsum, psums, pcnts,
                  rows0, rows1, rows2,
                  idx00, idx01, idx10, idx11, idx20, idx21,
                  cnt_v, acc_s,
                  lsem0, lsem1, lsem2, ssem0, ssem1, ssem2):
    rows = (rows0, rows1, rows2)
    idx = ((idx00, idx01), (idx10, idx11), (idx20, idx21))
    lsem = (lsem0, lsem1, lsem2)
    ssem = (ssem0, ssem1, ssem2)

    c = lax.axis_index("c")
    s = lax.axis_index("s")
    w = s * _NC + c
    jbase = _CPW * w + jnp.minimum(w, 2)
    jend = _CPW * (w + 1) + jnp.minimum(w + 1, 2)
    nch = jend - jbase

    base = s * _ROWS_PER_TILE
    pltpu.sync_copy(zsum.at[pl.ds(base, _ROWS_PER_TILE)],
                    acc_s.at[pl.ds(base, _ROWS_PER_TILE)])

    zv = jnp.zeros((16,), jnp.float32)

    def zbody(k, carry):
        cnt_v[pl.ds(k * 16, 16)] = zv
        return carry

    lax.fori_loop(0, _C_PAD // 16, zbody, 0)
    plsc.subcore_barrier()

    ones16 = jnp.ones((16,), jnp.float32)

    def start_load(r, j):
        pltpu.async_copy(feat.at[pl.ds(j * _CHUNK, _CHUNK)], rows[r], lsem[r])
        for k in range(_NSUB):
            pltpu.async_copy(lab1d.at[pl.ds(j * _CHUNK + k * _SUB, _SUB)],
                             idx[r][k], lsem[r])

    def wait_load(r, j):
        pltpu.make_async_copy(feat.at[pl.ds(j * _CHUNK, _CHUNK)],
                              rows[r], lsem[r]).wait()
        for k in range(_NSUB):
            pltpu.make_async_copy(
                lab1d.at[pl.ds(j * _CHUNK + k * _SUB, _SUB)],
                idx[r][k], lsem[r]).wait()

    def start_scatter(r):
        for k in range(_NSUB):
            pltpu.async_copy(rows[r].at[pl.ds(k * _SUB, _SUB)],
                             acc_s.at[idx[r][k]], ssem[r], add=True)

    def wait_scatter(r):
        for k in range(_NSUB):
            pltpu.make_async_copy(rows[r].at[pl.ds(k * _SUB, _SUB)],
                                  acc_s.at[idx[r][k]], ssem[r]).wait()

    def do_counts(r):
        for k in range(_NSUB):
            for m in range(_SUB // 16):
                iv = idx[r][k][pl.ds(m * 16, 16)]
                plsc.addupdate_scatter(cnt_v, [iv], ones16)

    def step(j, r, has_prev):
        @pl.when(j < jend)
        def _():
            wait_load(r, j)
            start_scatter(r)
            do_counts(r)
            rp = (r - 1) % 3
            if has_prev:
                wait_scatter(rp)
            jn = j + 2

            @pl.when(jn < jend)
            def _():
                start_load(rp, jn)

    for r in range(2):
        jj = jbase + r

        @pl.when(jj < jend)
        def _():
            start_load(r, jj)

    for r in range(3):
        step(jbase + r, r, has_prev=(r != 0))

    def body(i, carry):
        for r in range(3):
            step(jbase + 3 * i + r, r, has_prev=True)
        return carry

    lax.fori_loop(1, _NROUNDS, body, 0)

    for r in range(3):
        @pl.when(lax.rem(nch - 1, 3) == r)
        def _():
            wait_scatter(r)

    plsc.subcore_barrier()
    pltpu.sync_copy(acc_s.at[pl.ds(base, _ROWS_PER_TILE)],
                    psums.at[c, pl.ds(base, _ROWS_PER_TILE)])
    pltpu.sync_copy(cnt_v, pcnts.at[w])


def _combine_body(ps_ref, pc_ref, o_ref):
    sums = ps_ref[0] + ps_ref[1]
    cnts = jnp.sum(pc_ref[...], axis=0)
    denom = jnp.maximum(cnts[:, None], 1.0)
    o_ref[...] = (sums / denom)[:_NUM_CLASSES]


def kernel(context_features, context_labels):
    labels = context_labels.astype(jnp.int32)
    zsum = jnp.zeros((_C_PAD, _D), jnp.float32)
    psums, pcnts = _segment_sums(context_features, labels, zsum)
    return pl.pallas_call(
        _combine_body,
        out_shape=jax.ShapeDtypeStruct((_NUM_CLASSES, _D), jnp.float32),
    )(psums, pcnts)

# --- scband reference (transcript-rebuilt; emitter-appended) ---
"""Pipeline reference for scband-head-classifier-50629074485488 (READ-ONLY COPY).

The authoritative reference and input builder live on the scoring server;
editing this copy changes nothing except your own understanding.
"""

import jax, jax.numpy as jnp
import numpy as np

NUM_CLASSES = 1000
N = 320000
D = 128
LOGIT_SCALE = 1.0

def setup_inputs(seed: int = 0) -> dict:
    key = jax.random.key(seed)
    k1, k2 = jax.random.split(key)
    context_features = jax.random.normal(k1, (N, D), dtype=jnp.float32)
    context_labels = jnp.sort(jax.random.randint(k2, (N,), 0, NUM_CLASSES, dtype=jnp.int64))
    return {"context_features": context_features, "context_labels": context_labels}

def reference(context_features, context_labels):
    # Faithful vectorized translation of HeadClassifier._build_class_reps:
    # for each class c present in labels, gather that class's rows and mean-pool.
    # Implemented as a segment mean (scatter-add of features + counts, then divide).
    sums = jax.ops.segment_sum(context_features, context_labels, num_segments=NUM_CLASSES)
    counts = jax.ops.segment_sum(
        jnp.ones((context_features.shape[0],), dtype=context_features.dtype),
        context_labels,
        num_segments=NUM_CLASSES,
    )
    denom = jnp.maximum(counts, 1.0)
    class_reps = sums / denom[:, None]
    return class_reps

if __name__ == "__main__":
    import jax
    _d = setup_inputs()
    print(jax.jit(kernel)(*tuple(_d.values())))

</pallas_src>

<mosaic_0001>
#map = affine_map<(d0, d1) -> (0, 0)>
#map1 = affine_map<(d0, d1) -> (0)>
#map2 = affine_map<(d0, d1) -> (0, 0, 0)>
module attributes {stable_mosaic.version = 14 : i64} {
  func.func @_segment_sums(%arg0: i32, %arg1: i32, %arg2: memref<320000x128xf32, #tpu.memory_space<hbm>>, %arg3: memref<320000xi32, #tpu.memory_space<hbm>>, %arg4: memref<1024x128xf32, #tpu.memory_space<hbm>>, %arg5: memref<2x1024x128xf32, #tpu.memory_space<hbm>>, %arg6: memref<32x1024xf32, #tpu.memory_space<hbm>>, %arg7: memref<256x128xf32, #tpu.memory_space<vmem>>, %arg8: memref<256x128xf32, #tpu.memory_space<vmem>>, %arg9: memref<256x128xf32, #tpu.memory_space<vmem>>, %arg10: memref<128xi32, #tpu.memory_space<vmem>>, %arg11: memref<128xi32, #tpu.memory_space<vmem>>, %arg12: memref<128xi32, #tpu.memory_space<vmem>>, %arg13: memref<128xi32, #tpu.memory_space<vmem>>, %arg14: memref<128xi32, #tpu.memory_space<vmem>>, %arg15: memref<128xi32, #tpu.memory_space<vmem>>, %arg16: memref<1024xf32, #tpu.memory_space<vmem>>, %arg17: memref<1024x128xf32, #tpu.memory_space<vmem_shared>>, %arg18: memref<!tpu.dma_semaphore, #tpu.memory_space<semaphore_mem>>, %arg19: memref<!tpu.dma_semaphore, #tpu.memory_space<semaphore_mem>>, %arg20: memref<!tpu.dma_semaphore, #tpu.memory_space<semaphore_mem>>, %arg21: memref<!tpu.dma_semaphore, #tpu.memory_space<semaphore_mem>>, %arg22: memref<!tpu.dma_semaphore, #tpu.memory_space<semaphore_mem>>, %arg23: memref<!tpu.dma_semaphore, #tpu.memory_space<semaphore_mem>>) attributes {dimension_semantics = [#tpu.dimension_semantics<core_parallel>, #tpu.dimension_semantics<subcore_parallel>], iteration_bounds = array<i64: 2, 16>, scalar_prefetch = 0 : i64, scratch_operands = 17 : i64, tpu.core_type = #tpu.core_type<sc_vector_subcore>, window_params = [{transform_indices = #map}, {transform_indices = #map1}, {transform_indices = #map}, {transform_indices = #map2}, {transform_indices = #map}]} {
    %mul3A = arith.constant 2 : i32
    %mul3A_0 = arith.muli %arg1, %mul3A : i32
    %add3A = arith.addi %mul3A_0, %arg0 : i32
    %mul3A_1 = arith.constant 39 : i32
    %mul3A_2 = arith.muli %mul3A_1, %add3A : i32
    %min3A = arith.constant 2 : i32
    %min3A_3 = arith.minsi %add3A, %min3A : i32
    %add3A_4 = arith.addi %mul3A_2, %min3A_3 : i32
    %add3A_5 = arith.constant 1 : i32
    %add3A_6 = arith.addi %add3A, %add3A_5 : i32
    %mul3A_7 = arith.constant 39 : i32
    %mul3A_8 = arith.muli %mul3A_7, %add3A_6 : i32
    %add3A_9 = arith.constant 1 : i32
    %add3A_10 = arith.addi %add3A, %add3A_9 : i32
    %min3A_11 = arith.constant 2 : i32
    %min3A_12 = arith.minsi %add3A_10, %min3A_11 : i32
    %add3A_13 = arith.addi %mul3A_8, %min3A_12 : i32
    %sub3A = arith.subi %add3A_13, %add3A_4 : i32
    %mul3A_14 = arith.constant 64 : i32
    %mul3A_15 = arith.muli %arg1, %mul3A_14 : i32
    "tpu.region"() ({
      %run_scoped3A = tpu.sem_alloc : memref<!tpu.dma_semaphore, #tpu.memory_space<semaphore_mem>>
      %dma_start3A = arith.constant 0 : i32
      %dma_start3A_83 = tpu.memref_slice %arg17[%mul3A_15, %dma_start3A] : memref<1024x128xf32, #tpu.memory_space<vmem_shared>> -> memref<64x128xf32, #tpu.memory_space<vmem_shared>>
      %dma_start3A_84 = arith.constant 0 : i32
      %dma_start3A_85 = tpu.memref_slice %arg4[%mul3A_15, %dma_start3A_84] : memref<1024x128xf32, #tpu.memory_space<hbm>> -> memref<64x128xf32, #tpu.memory_space<hbm>>
      tpu.enqueue_dma source(%dma_start3A_85 : memref<64x128xf32, #tpu.memory_space<hbm>>) target(%dma_start3A_83 : memref<64x128xf32, #tpu.memory_space<vmem_shared>>) target_semaphore(%run_scoped3A : memref<!tpu.dma_semaphore, #tpu.memory_space<semaphore_mem>>)
      %dma_wait3A = arith.constant 0 : i32
      %dma_wait3A_86 = tpu.memref_slice %arg17[%mul3A_15, %dma_wait3A] : memref<1024x128xf32, #tpu.memory_space<vmem_shared>> -> memref<64x128xf32, #tpu.memory_space<vmem_shared>>
      %dma_wait3A_87 = arith.constant 0 : i32
      %dma_wait3A_88 = tpu.memref_slice %arg4[%mul3A_15, %dma_wait3A_87] : memref<1024x128xf32, #tpu.memory_space<hbm>> -> memref<64x128xf32, #tpu.memory_space<hbm>>
      tpu.wait_dma2 semaphore(%run_scoped3A : memref<!tpu.dma_semaphore, #tpu.memory_space<semaphore_mem>>) src(%dma_wait3A_88 : memref<64x128xf32, #tpu.memory_space<hbm>>) dst(%dma_wait3A_86 : memref<64x128xf32, #tpu.memory_space<vmem_shared>>)
      tpu.yield
    }) : () -> ()
    %broadcast_in_dim3A = arith.constant 0.000000e+00 : f32
    %broadcast_in_dim3A_16 = vector.broadcast %broadcast_in_dim3A : f32 to vector<16xf32>
    %scan3A = arith.constant 0 : i32
    %scan3A_17 = arith.constant 0 : i32
    %scan3A_18 = arith.constant 64 : i32
    %scan3A_19 = arith.addi %scan3A_17, %scan3A_18 : i32
    %scan3A_20 = arith.constant 1 : i32
    scf.for %scan3A_83 = %scan3A_17 to %scan3A_19 step %scan3A_20  : i32 {
      %mul3A_84 = arith.constant 16 : i32
      %mul3A_85 = arith.muli %scan3A_83, %mul3A_84 : i32
      %swap3A = arith.index_cast %mul3A_85 : i32 to index
      %swap3A_86 = tpu.vector_load %arg16[%swap3A] {strides = array<i32>} : memref<1024xf32, #tpu.memory_space<vmem>>, vector<16xf32>,
      tpu.vector_store %arg16[%swap3A], %broadcast_in_dim3A_16 {strides = array<i32>} : memref<1024xf32, #tpu.memory_space<vmem>>, vector<16xf32>,
    }
    %scan3A_21 = arith.constant 64 : i32
    %barrier3A = arith.constant 0 : index
    tpu.barrier barrier_id(%barrier3A)
    %broadcast_in_dim3A_22 = arith.constant 1.000000e+00 : f32
    %broadcast_in_dim3A_23 = vector.broadcast %broadcast_in_dim3A_22 : f32 to vector<16xf32>
    %add3A_24 = arith.constant 0 : i32
    %add3A_25 = arith.addi %add3A_4, %add3A_24 : i32
    %lt3A = arith.cmpi slt, %add3A_25, %add3A_13 : i32
    %convert_element_type3A = arith.extui %lt3A : i1 to i32
    %cond3A = arith.constant 0 : i32
    %cond3A_26 = arith.cmpi ne, %convert_element_type3A, %cond3A : i32
    scf.if %cond3A_26 {
      %mul3A_83 = arith.constant 256 : i32
      %mul3A_84 = arith.muli %add3A_25, %mul3A_83 : i32
      %dma_start3A = arith.constant 0 : i32
      %dma_start3A_85 = tpu.memref_slice %arg2[%mul3A_84, %dma_start3A] : memref<320000x128xf32, #tpu.memory_space<hbm>> -> memref<256x128xf32, #tpu.memory_space<hbm>>
      %dma_start3A_86 = arith.constant 0 : i32
      %dma_start3A_87 = tpu.memref_slice %arg2[%mul3A_84, %dma_start3A_86] : memref<320000x128xf32, #tpu.memory_space<hbm>> -> memref<256x128xf32, #tpu.memory_space<hbm>>
      tpu.enqueue_dma source(%dma_start3A_87 : memref<256x128xf32, #tpu.memory_space<hbm>>) target(%arg7 : memref<256x128xf32, #tpu.memory_space<vmem>>) target_semaphore(%arg18 : memref<!tpu.dma_semaphore, #tpu.memory_space<semaphore_mem>>)
      %mul3A_88 = arith.constant 256 : i32
      %mul3A_89 = arith.muli %add3A_25, %mul3A_88 : i32
      %add3A_90 = arith.constant 0 : i32
      %add3A_91 = arith.addi %mul3A_89, %add3A_90 : i32
      %dma_start3A_92 = tpu.memref_slice %arg3[%add3A_91] : memref<320000xi32, #tpu.memory_space<hbm>> -> memref<128xi32, #tpu.memory_space<hbm>>
      %dma_start3A_93 = tpu.memref_slice %arg3[%add3A_91] : memref<320000xi32, #tpu.memory_space<hbm>> -> memref<128xi32, #tpu.memory_space<hbm>>
      tpu.enqueue_dma source(%dma_start3A_93 : memref<128xi32, #tpu.memory_space<hbm>>) target(%arg10 : memref<128xi32, #tpu.memory_space<vmem>>) target_semaphore(%arg18 : memref<!tpu.dma_semaphore, #tpu.memory_space<semaphore_mem>>)
      %mul3A_94 = arith.constant 256 : i32
      %mul3A_95 = arith.muli %add3A_25, %mul3A_94 : i32
      %add3A_96 = arith.constant 128 : i32
      %add3A_97 = arith.addi %mul3A_95, %add3A_96 : i32
      %dma_start3A_98 = tpu.memref_slice %arg3[%add3A_97] : memref<320000xi32, #tpu.memory_space<hbm>> -> memref<128xi32, #tpu.memory_space<hbm>>
      %dma_start3A_99 = tpu.memref_slice %arg3[%add3A_97] : memref<320000xi32, #tpu.memory_space<hbm>> -> memref<128xi32, #tpu.memory_space<hbm>>
      tpu.enqueue_dma source(%dma_start3A_99 : memref<128xi32, #tpu.memory_space<hbm>>) target(%arg11 : memref<128xi32, #tpu.memory_space<vmem>>) target_semaphore(%arg18 : memref<!tpu.dma_semaphore, #tpu.memory_space<semaphore_mem>>)
    } else {
    }
    %add3A_27 = arith.constant 1 : i32
    %add3A_28 = arith.addi %add3A_4, %add3A_27 : i32
    %lt3A_29 = arith.cmpi slt, %add3A_28, %add3A_13 : i32
    %convert_element_type3A_30 = arith.extui %lt3A_29 : i1 to i32
    %cond3A_31 = arith.constant 0 : i32
    %cond3A_32 = arith.cmpi ne, %convert_element_type3A_30, %cond3A_31 : i32
    scf.if %cond3A_32 {
      %mul3A_83 = arith.constant 256 : i32
      %mul3A_84 = arith.muli %add3A_28, %mul3A_83 : i32
      %dma_start3A = arith.constant 0 : i32
      %dma_start3A_85 = tpu.memref_slice %arg2[%mul3A_84, %dma_start3A] : memref<320000x128xf32, #tpu.memory_space<hbm>> -> memref<256x128xf32, #tpu.memory_space<hbm>>
      %dma_start3A_86 = arith.constant 0 : i32
      %dma_start3A_87 = tpu.memref_slice %arg2[%mul3A_84, %dma_start3A_86] : memref<320000x128xf32, #tpu.memory_space<hbm>> -> memref<256x128xf32, #tpu.memory_space<hbm>>
      tpu.enqueue_dma source(%dma_start3A_87 : memref<256x128xf32, #tpu.memory_space<hbm>>) target(%arg8 : memref<256x128xf32, #tpu.memory_space<vmem>>) target_semaphore(%arg19 : memref<!tpu.dma_semaphore, #tpu.memory_space<semaphore_mem>>)
      %mul3A_88 = arith.constant 256 : i32
      %mul3A_89 = arith.muli %add3A_28, %mul3A_88 : i32
      %add3A_90 = arith.constant 0 : i32
      %add3A_91 = arith.addi %mul3A_89, %add3A_90 : i32
      %dma_start3A_92 = tpu.memref_slice %arg3[%add3A_91] : memref<320000xi32, #tpu.memory_space<hbm>> -> memref<128xi32, #tpu.memory_space<hbm>>
      %dma_start3A_93 = tpu.memref_slice %arg3[%add3A_91] : memref<320000xi32, #tpu.memory_space<hbm>> -> memref<128xi32, #tpu.memory_space<hbm>>
      tpu.enqueue_dma source(%dma_start3A_93 : memref<128xi32, #tpu.memory_space<hbm>>) target(%arg12 : memref<128xi32, #tpu.memory_space<vmem>>) target_semaphore(%arg19 : memref<!tpu.dma_semaphore, #tpu.memory_space<semaphore_mem>>)
      %mul3A_94 = arith.constant 256 : i32
      %mul3A_95 = arith.muli %add3A_28, %mul3A_94 : i32
      %add3A_96 = arith.constant 128 : i32
      %add3A_97 = arith.addi %mul3A_95, %add3A_96 : i32
      %dma_start3A_98 = tpu.memref_slice %arg3[%add3A_97] : memref<320000xi32, #tpu.memory_space<hbm>> -> memref<128xi32, #tpu.memory_space<hbm>>
      %dma_start3A_99 = tpu.memref_slice %arg3[%add3A_97] : memref<320000xi32, #tpu.memory_space<hbm>> -> memref<128xi32, #tpu.memory_space<hbm>>
      tpu.enqueue_dma source(%dma_start3A_99 : memref<128xi32, #tpu.memory_space<hbm>>) target(%arg13 : memref<128xi32, #tpu.memory_space<vmem>>) target_semaphore(%arg19 : memref<!tpu.dma_semaphore, #tpu.memory_space<semaphore_mem>>)
    } else {
    }
    %add3A_33 = arith.constant 0 : i32
    %add3A_34 = arith.addi %add3A_4, %add3A_33 : i32
    %lt3A_35 = arith.cmpi slt, %add3A_34, %add3A_13 : i32
    %convert_element_type3A_36 = arith.extui %lt3A_35 : i1 to i32
    %cond3A_37 = arith.constant 0 : i32
    %cond3A_38 = arith.cmpi ne, %convert_element_type3A_36, %cond3A_37 : i32
    scf.if %cond3A_38 {
      %mul3A_83 = arith.constant 256 : i32
      %mul3A_84 = arith.muli %add3A_34, %mul3A_83 : i32
      %dma_wait3A = arith.constant 0 : i32
      %dma_wait3A_85 = tpu.memref_slice %arg2[%mul3A_84, %dma_wait3A] : memref<320000x128xf32, #tpu.memory_space<hbm>> -> memref<256x128xf32, #tpu.memory_space<hbm>>
      %dma_wait3A_86 = arith.constant 0 : i32
      %dma_wait3A_87 = tpu.memref_slice %arg2[%mul3A_84, %dma_wait3A_86] : memref<320000x128xf32, #tpu.memory_space<hbm>> -> memref<256x128xf32, #tpu.memory_space<hbm>>
      tpu.wait_dma2 semaphore(%arg18 : memref<!tpu.dma_semaphore, #tpu.memory_space<semaphore_mem>>) src(%dma_wait3A_87 : memref<256x128xf32, #tpu.memory_space<hbm>>) dst(%arg7 : memref<256x128xf32, #tpu.memory_space<vmem>>)
      %mul3A_88 = arith.constant 256 : i32
      %mul3A_89 = arith.muli %add3A_34, %mul3A_88 : i32
      %add3A_90 = arith.constant 0 : i32
      %add3A_91 = arith.addi %mul3A_89, %add3A_90 : i32
      %dma_wait3A_92 = tpu.memref_slice %arg3[%add3A_91] : memref<320000xi32, #tpu.memory_space<hbm>> -> memref<128xi32, #tpu.memory_space<hbm>>
      %dma_wait3A_93 = tpu.memref_slice %arg3[%add3A_91] : memref<320000xi32, #tpu.memory_space<hbm>> -> memref<128xi32, #tpu.memory_space<hbm>>
      tpu.wait_dma2 semaphore(%arg18 : memref<!tpu.dma_semaphore, #tpu.memory_space<semaphore_mem>>) src(%dma_wait3A_93 : memref<128xi32, #tpu.memory_space<hbm>>) dst(%arg10 : memref<128xi32, #tpu.memory_space<vmem>>)
      %mul3A_94 = arith.constant 256 : i32
      %mul3A_95 = arith.muli %add3A_34, %mul3A_94 : i32
      %add3A_96 = arith.constant 128 : i32
      %add3A_97 = arith.addi %mul3A_95, %add3A_96 : i32
      %dma_wait3A_98 = tpu.memref_slice %arg3[%add3A_97] : memref<320000xi32, #tpu.memory_space<hbm>> -> memref<128xi32, #tpu.memory_space<hbm>>
      %dma_wait3A_99 = tpu.memref_slice %arg3[%add3A_97] : memref<320000xi32, #tpu.memory_space<hbm>> -> memref<128xi32, #tpu.memory_space<hbm>>
      tpu.wait_dma2 semaphore(%arg18 : memref<!tpu.dma_semaphore, #tpu.memory_space<semaphore_mem>>) src(%dma_wait3A_99 : memref<128xi32, #tpu.memory_space<hbm>>) dst(%arg11 : memref<128xi32, #tpu.memory_space<vmem>>)
      %dma_start3A = arith.constant 0 : i32
      %dma_start3A_100 = arith.constant 0 : i32
      %dma_start3A_101 = tpu.memref_slice %arg7[%dma_start3A, %dma_start3A_100] : memref<256x128xf32, #tpu.memory_space<vmem>> -> memref<128x128xf32, #tpu.memory_space<vmem>>
      %dma_start3A_102 = arith.constant 0 : i32
      %dma_start3A_103 = arith.constant 0 : i32
      %dma_start3A_104 = tpu.memref_slice %arg17[%dma_start3A_102, %dma_start3A_103] : memref<1024x128xf32, #tpu.memory_space<vmem_shared>> -> memref<1024x128xf32, #tpu.memory_space<vmem_shared>>
      tpu.enqueue_indirect_dma source(%dma_start3A_101 : memref<128x128xf32, #tpu.memory_space<vmem>>) target(%dma_start3A_104 : memref<1024x128xf32, #tpu.memory_space<vmem_shared>>) offsets(%arg10 : memref<128xi32, #tpu.memory_space<vmem>>) semaphore(%arg21 : memref<!tpu.dma_semaphore, #tpu.memory_space<semaphore_mem>>) {add = true}
      %dma_start3A_105 = arith.constant 128 : i32
      %dma_start3A_106 = arith.constant 0 : i32
      %dma_start3A_107 = tpu.memref_slice %arg7[%dma_start3A_105, %dma_start3A_106] : memref<256x128xf32, #tpu.memory_space<vmem>> -> memref<128x128xf32, #tpu.memory_space<vmem>>
      %dma_start3A_108 = arith.constant 0 : i32
      %dma_start3A_109 = arith.constant 0 : i32
      %dma_start3A_110 = tpu.memref_slice %arg17[%dma_start3A_108, %dma_start3A_109] : memref<1024x128xf32, #tpu.memory_space<vmem_shared>> -> memref<1024x128xf32, #tpu.memory_space<vmem_shared>>
      tpu.enqueue_indirect_dma source(%dma_start3A_107 : memref<128x128xf32, #tpu.memory_space<vmem>>) target(%dma_start3A_110 : memref<1024x128xf32, #tpu.memory_space<vmem_shared>>) offsets(%arg11 : memref<128xi32, #tpu.memory_space<vmem>>) semaphore(%arg21 : memref<!tpu.dma_semaphore, #tpu.memory_space<semaphore_mem>>) {add = true}
      %get3A = arith.constant 0 : index
      %get3A_111 = tpu.vector_load %arg10[%get3A] {strides = array<i32>} : memref<128xi32, #tpu.memory_space<vmem>>, vector<16xi32>,
      tpu.vector_store_idx %arg16[%get3A_111], %broadcast_in_dim3A_23 {add = true} : memref<1024xf32, #tpu.memory_space<vmem>>[vector<16xi32>], vector<16xf32>,
      %get3A_112 = arith.constant 16 : index
      %get3A_113 = tpu.vector_load %arg10[%get3A_112] {strides = array<i32>} : memref<128xi32, #tpu.memory_space<vmem>>, vector<16xi32>,
      tpu.vector_store_idx %arg16[%get3A_113], %broadcast_in_dim3A_23 {add = true} : memref<1024xf32, #tpu.memory_space<vmem>>[vector<16xi32>], vector<16xf32>,
      %get3A_114 = arith.constant 32 : index
      %get3A_115 = tpu.vector_load %arg10[%get3A_114] {strides = array<i32>} : memref<128xi32, #tpu.memory_space<vmem>>, vector<16xi32>,
      tpu.vector_store_idx %arg16[%get3A_115], %broadcast_in_dim3A_23 {add = true} : memref<1024xf32, #tpu.memory_space<vmem>>[vector<16xi32>], vector<16xf32>,
      %get3A_116 = arith.constant 48 : index
      %get3A_117 = tpu.vector_load %arg10[%get3A_116] {strides = array<i32>} : memref<128xi32, #tpu.memory_space<vmem>>, vector<16xi32>,
      tpu.vector_store_idx %arg16[%get3A_117], %broadcast_in_dim3A_23 {add = true} : memref<1024xf32, #tpu.memory_space<vmem>>[vector<16xi32>], vector<16xf32>,
      %get3A_118 = arith.constant 64 : index
      %get3A_119 = tpu.vector_load %arg10[%get3A_118] {strides = array<i32>} : memref<128xi32, #tpu.memory_space<vmem>>, vector<16xi32>,
      tpu.vector_store_idx %arg16[%get3A_119], %broadcast_in_dim3A_23 {add = true} : memref<1024xf32, #tpu.memory_space<vmem>>[vector<16xi32>], vector<16xf32>,
      %get3A_120 = arith.constant 80 : index
      %get3A_121 = tpu.vector_load %arg10[%get3A_120] {strides = array<i32>} : memref<128xi32, #tpu.memory_space<vmem>>, vector<16xi32>,
      tpu.vector_store_idx %arg16[%get3A_121], %broadcast_in_dim3A_23 {add = true} : memref<1024xf32, #tpu.memory_space<vmem>>[vector<16xi32>], vector<16xf32>,
      %get3A_122 = arith.constant 96 : index
      %get3A_123 = tpu.vector_load %arg10[%get3A_122] {strides = array<i32>} : memref<128xi32, #tpu.memory_space<vmem>>, vector<16xi32>,
      tpu.vector_store_idx %arg16[%get3A_123], %broadcast_in_dim3A_23 {add = true} : memref<1024xf32, #tpu.memory_space<vmem>>[vector<16xi32>], vector<16xf32>,
      %get3A_124 = arith.constant 112 : index
      %get3A_125 = tpu.vector_load %arg10[%get3A_124] {strides = array<i32>} : memref<128xi32, #tpu.memory_space<vmem>>, vector<16xi32>,
      tpu.vector_store_idx %arg16[%get3A_125], %broadcast_in_dim3A_23 {add = true} : memref<1024xf32, #tpu.memory_space<vmem>>[vector<16xi32>], vector<16xf32>,
      %get3A_126 = arith.constant 0 : index
      %get3A_127 = tpu.vector_load %arg11[%get3A_126] {strides = array<i32>} : memref<128xi32, #tpu.memory_space<vmem>>, vector<16xi32>,
      tpu.vector_store_idx %arg16[%get3A_127], %broadcast_in_dim3A_23 {add = true} : memref<1024xf32, #tpu.memory_space<vmem>>[vector<16xi32>], vector<16xf32>,
      %get3A_128 = arith.constant 16 : index
      %get3A_129 = tpu.vector_load %arg11[%get3A_128] {strides = array<i32>} : memref<128xi32, #tpu.memory_space<vmem>>, vector<16xi32>,
      tpu.vector_store_idx %arg16[%get3A_129], %broadcast_in_dim3A_23 {add = true} : memref<1024xf32, #tpu.memory_space<vmem>>[vector<16xi32>], vector<16xf32>,
      %get3A_130 = arith.constant 32 : index
      %get3A_131 = tpu.vector_load %arg11[%get3A_130] {strides = array<i32>} : memref<128xi32, #tpu.memory_space<vmem>>, vector<16xi32>,
      tpu.vector_store_idx %arg16[%get3A_131], %broadcast_in_dim3A_23 {add = true} : memref<1024xf32, #tpu.memory_space<vmem>>[vector<16xi32>], vector<16xf32>,
      %get3A_132 = arith.constant 48 : index
      %get3A_133 = tpu.vector_load %arg11[%get3A_132] {strides = array<i32>} : memref<128xi32, #tpu.memory_space<vmem>>, vector<16xi32>,
      tpu.vector_store_idx %arg16[%get3A_133], %broadcast_in_dim3A_23 {add = true} : memref<1024xf32, #tpu.memory_space<vmem>>[vector<16xi32>], vector<16xf32>,
      %get3A_134 = arith.constant 64 : index
      %get3A_135 = tpu.vector_load %arg11[%get3A_134] {strides = array<i32>} : memref<128xi32, #tpu.memory_space<vmem>>, vector<16xi32>,
      tpu.vector_store_idx %arg16[%get3A_135], %broadcast_in_dim3A_23 {add = true} : memref<1024xf32, #tpu.memory_space<vmem>>[vector<16xi32>], vector<16xf32>,
      %get3A_136 = arith.constant 80 : index
      %get3A_137 = tpu.vector_load %arg11[%get3A_136] {strides = array<i32>} : memref<128xi32, #tpu.memory_space<vmem>>, vector<16xi32>,
      tpu.vector_store_idx %arg16[%get3A_137], %broadcast_in_dim3A_23 {add = true} : memref<1024xf32, #tpu.memory_space<vmem>>[vector<16xi32>], vector<16xf32>,
      %get3A_138 = arith.constant 96 : index
      %get3A_139 = tpu.vector_load %arg11[%get3A_138] {strides = array<i32>} : memref<128xi32, #tpu.memory_space<vmem>>, vector<16xi32>,
      tpu.vector_store_idx %arg16[%get3A_139], %broadcast_in_dim3A_23 {add = true} : memref<1024xf32, #tpu.memory_space<vmem>>[vector<16xi32>], vector<16xf32>,
      %get3A_140 = arith.constant 112 : index
      %get3A_141 = tpu.vector_load %arg11[%get3A_140] {strides = array<i32>} : memref<128xi32, #tpu.memory_space<vmem>>, vector<16xi32>,
      tpu.vector_store_idx %arg16[%get3A_141], %broadcast_in_dim3A_23 {add = true} : memref<1024xf32, #tpu.memory_space<vmem>>[vector<16xi32>], vector<16xf32>,
      %add3A_142 = arith.constant 2 : i32
      %add3A_143 = arith.addi %add3A_34, %add3A_142 : i32
      %lt3A_144 = arith.cmpi slt, %add3A_143, %add3A_13 : i32
      %convert_element_type3A_145 = arith.extui %lt3A_144 : i1 to i32
      %cond3A_146 = arith.constant 0 : i32
      %cond3A_147 = arith.cmpi ne, %convert_element_type3A_145, %cond3A_146 : i32
      scf.if %cond3A_147 {
        %mul3A_148 = arith.constant 256 : i32
        %mul3A_149 = arith.muli %add3A_143, %mul3A_148 : i32
        %dma_start3A_150 = arith.constant 0 : i32
        %dma_start3A_151 = tpu.memref_slice %arg2[%mul3A_149, %dma_start3A_150] : memref<320000x128xf32, #tpu.memory_space<hbm>> -> memref<256x128xf32, #tpu.memory_space<hbm>>
        %dma_start3A_152 = arith.constant 0 : i32
        %dma_start3A_153 = tpu.memref_slice %arg2[%mul3A_149, %dma_start3A_152] : memref<320000x128xf32, #tpu.memory_space<hbm>> -> memref<256x128xf32, #tpu.memory_space<hbm>>
        tpu.enqueue_dma source(%dma_start3A_153 : memref<256x128xf32, #tpu.memory_space<hbm>>) target(%arg9 : memref<256x128xf32, #tpu.memory_space<vmem>>) target_semaphore(%arg20 : memref<!tpu.dma_semaphore, #tpu.memory_space<semaphore_mem>>)
        %mul3A_154 = arith.constant 256 : i32
        %mul3A_155 = arith.muli %add3A_143, %mul3A_154 : i32
        %add3A_156 = arith.constant 0 : i32
        %add3A_157 = arith.addi %mul3A_155, %add3A_156 : i32
        %dma_start3A_158 = tpu.memref_slice %arg3[%add3A_157] : memref<320000xi32, #tpu.memory_space<hbm>> -> memref<128xi32, #tpu.memory_space<hbm>>
        %dma_start3A_159 = tpu.memref_slice %arg3[%add3A_157] : memref<320000xi32, #tpu.memory_space<hbm>> -> memref<128xi32, #tpu.memory_space<hbm>>
        tpu.enqueue_dma source(%dma_start3A_159 : memref<128xi32, #tpu.memory_space<hbm>>) target(%arg14 : memref<128xi32, #tpu.memory_space<vmem>>) target_semaphore(%arg20 : memref<!tpu.dma_semaphore, #tpu.memory_space<semaphore_mem>>)
        %mul3A_160 = arith.constant 256 : i32
        %mul3A_161 = arith.muli %add3A_143, %mul3A_160 : i32
        %add3A_162 = arith.constant 128 : i32
        %add3A_163 = arith.addi %mul3A_161, %add3A_162 : i32
        %dma_start3A_164 = tpu.memref_slice %arg3[%add3A_163] : memref<320000xi32, #tpu.memory_space<hbm>> -> memref<128xi32, #tpu.memory_space<hbm>>
        %dma_start3A_165 = tpu.memref_slice %arg3[%add3A_163] : memref<320000xi32, #tpu.memory_space<hbm>> -> memref<128xi32, #tpu.memory_space<hbm>>
        tpu.enqueue_dma source(%dma_start3A_165 : memref<128xi32, #tpu.memory_space<hbm>>) target(%arg15 : memref<128xi32, #tpu.memory_space<vmem>>) target_semaphore(%arg20 : memref<!tpu.dma_semaphore, #tpu.memory_space<semaphore_mem>>)
      } else {
      }
    } else {
    }
    %add3A_39 = arith.constant 1 : i32
    %add3A_40 = arith.addi %add3A_4, %add3A_39 : i32
    %lt3A_41 = arith.cmpi slt, %add3A_40, %add3A_13 : i32
    %convert_element_type3A_42 = arith.extui %lt3A_41 : i1 to i32
    %cond3A_43 = arith.constant 0 : i32
    %cond3A_44 = arith.cmpi ne, %convert_element_type3A_42, %cond3A_43 : i32
    scf.if %cond3A_44 {
      %mul3A_83 = arith.constant 256 : i32
      %mul3A_84 = arith.muli %add3A_40, %mul3A_83 : i32
      %dma_wait3A = arith.constant 0 : i32
      %dma_wait3A_85 = tpu.memref_slice %arg2[%mul3A_84, %dma_wait3A] : memref<320000x128xf32, #tpu.memory_space<hbm>> -> memref<256x128xf32, #tpu.memory_space<hbm>>
      %dma_wait3A_86 = arith.constant 0 : i32
      %dma_wait3A_87 = tpu.memref_slice %arg2[%mul3A_84, %dma_wait3A_86] : memref<320000x128xf32, #tpu.memory_space<hbm>> -> memref<256x128xf32, #tpu.memory_space<hbm>>
      tpu.wait_dma2 semaphore(%arg19 : memref<!tpu.dma_semaphore, #tpu.memory_space<semaphore_mem>>) src(%dma_wait3A_87 : memref<256x128xf32, #tpu.memory_space<hbm>>) dst(%arg8 : memref<256x128xf32, #tpu.memory_space<vmem>>)
      %mul3A_88 = arith.constant 256 : i32
      %mul3A_89 = arith.muli %add3A_40, %mul3A_88 : i32
      %add3A_90 = arith.constant 0 : i32
      %add3A_91 = arith.addi %mul3A_89, %add3A_90 : i32
      %dma_wait3A_92 = tpu.memref_slice %arg3[%add3A_91] : memref<320000xi32, #tpu.memory_space<hbm>> -> memref<128xi32, #tpu.memory_space<hbm>>
      %dma_wait3A_93 = tpu.memref_slice %arg3[%add3A_91] : memref<320000xi32, #tpu.memory_space<hbm>> -> memref<128xi32, #tpu.memory_space<hbm>>
      tpu.wait_dma2 semaphore(%arg19 : memref<!tpu.dma_semaphore, #tpu.memory_space<semaphore_mem>>) src(%dma_wait3A_93 : memref<128xi32, #tpu.memory_space<hbm>>) dst(%arg12 : memref<128xi32, #tpu.memory_space<vmem>>)
      %mul3A_94 = arith.constant 256 : i32
      %mul3A_95 = arith.muli %add3A_40, %mul3A_94 : i32
      %add3A_96 = arith.constant 128 : i32
      %add3A_97 = arith.addi %mul3A_95, %add3A_96 : i32
      %dma_wait3A_98 = tpu.memref_slice %arg3[%add3A_97] : memref<320000xi32, #tpu.memory_space<hbm>> -> memref<128xi32, #tpu.memory_space<hbm>>
      %dma_wait3A_99 = tpu.memref_slice %arg3[%add3A_97] : memref<320000xi32, #tpu.memory_space<hbm>> -> memref<128xi32, #tpu.memory_space<hbm>>
      tpu.wait_dma2 semaphore(%arg19 : memref<!tpu.dma_semaphore, #tpu.memory_space<semaphore_mem>>) src(%dma_wait3A_99 : memref<128xi32, #tpu.memory_space<hbm>>) dst(%arg13 : memref<128xi32, #tpu.memory_space<vmem>>)
      %dma_start3A = arith.constant 0 : i32
      %dma_start3A_100 = arith.constant 0 : i32
      %dma_start3A_101 = tpu.memref_slice %arg8[%dma_start3A, %dma_start3A_100] : memref<256x128xf32, #tpu.memory_space<vmem>> -> memref<128x128xf32, #tpu.memory_space<vmem>>
      %dma_start3A_102 = arith.constant 0 : i32
      %dma_start3A_103 = arith.constant 0 : i32
      %dma_start3A_104 = tpu.memref_slice %arg17[%dma_start3A_102, %dma_start3A_103] : memref<1024x128xf32, #tpu.memory_space<vmem_shared>> -> memref<1024x128xf32, #tpu.memory_space<vmem_shared>>
      tpu.enqueue_indirect_dma source(%dma_start3A_101 : memref<128x128xf32, #tpu.memory_space<vmem>>) target(%dma_start3A_104 : memref<1024x128xf32, #tpu.memory_space<vmem_shared>>) offsets(%arg12 : memref<128xi32, #tpu.memory_space<vmem>>) semaphore(%arg22 : memref<!tpu.dma_semaphore, #tpu.memory_space<semaphore_mem>>) {add = true}
      %dma_start3A_105 = arith.constant 128 : i32
      %dma_start3A_106 = arith.constant 0 : i32
      %dma_start3A_107 = tpu.memref_slice %arg8[%dma_start3A_105, %dma_start3A_106] : memref<256x128xf32, #tpu.memory_space<vmem>> -> memref<128x128xf32, #tpu.memory_space<vmem>>
      %dma_start3A_108 = arith.constant 0 : i32
      %dma_start3A_109 = arith.constant 0 : i32
      %dma_start3A_110 = tpu.memref_slice %arg17[%dma_start3A_108, %dma_start3A_109] : memref<1024x128xf32, #tpu.memory_space<vmem_shared>> -> memref<1024x128xf32, #tpu.memory_space<vmem_shared>>
      tpu.enqueue_indirect_dma source(%dma_start3A_107 : memref<128x128xf32, #tpu.memory_space<vmem>>) target(%dma_start3A_110 : memref<1024x128xf32, #tpu.memory_space<vmem_shared>>) offsets(%arg13 : memref<128xi32, #tpu.memory_space<vmem>>) semaphore(%arg22 : memref<!tpu.dma_semaphore, #tpu.memory_space<semaphore_mem>>) {add = true}
      %get3A = arith.constant 0 : index
      %get3A_111 = tpu.vector_load %arg12[%get3A] {strides = array<i32>} : memref<128xi32, #tpu.memory_space<vmem>>, vector<16xi32>,
      tpu.vector_store_idx %arg16[%get3A_111], %broadcast_in_dim3A_23 {add = true} : memref<1024xf32, #tpu.memory_space<vmem>>[vector<16xi32>], vector<16xf32>,
      %get3A_112 = arith.constant 16 : index
      %get3A_113 = tpu.vector_load %arg12[%get3A_112] {strides = array<i32>} : memref<128xi32, #tpu.memory_space<vmem>>, vector<16xi32>,
      tpu.vector_store_idx %arg16[%get3A_113], %broadcast_in_dim3A_23 {add = true} : memref<1024xf32, #tpu.memory_space<vmem>>[vector<16xi32>], vector<16xf32>,
      %get3A_114 = arith.constant 32 : index
      %get3A_115 = tpu.vector_load %arg12[%get3A_114] {strides = array<i32>} : memref<128xi32, #tpu.memory_space<vmem>>, vector<16xi32>,
      tpu.vector_store_idx %arg16[%get3A_115], %broadcast_in_dim3A_23 {add = true} : memref<1024xf32, #tpu.memory_space<vmem>>[vector<16xi32>], vector<16xf32>,
      %get3A_116 = arith.constant 48 : index
      %get3A_117 = tpu.vector_load %arg12[%get3A_116] {strides = array<i32>} : memref<128xi32, #tpu.memory_space<vmem>>, vector<16xi32>,
      tpu.vector_store_idx %arg16[%get3A_117], %broadcast_in_dim3A_23 {add = true} : memref<1024xf32, #tpu.memory_space<vmem>>[vector<16xi32>], vector<16xf32>,
      %get3A_118 = arith.constant 64 : index
      %get3A_119 = tpu.vector_load %arg12[%get3A_118] {strides = array<i32>} : memref<128xi32, #tpu.memory_space<vmem>>, vector<16xi32>,
      tpu.vector_store_idx %arg16[%get3A_119], %broadcast_in_dim3A_23 {add = true} : memref<1024xf32, #tpu.memory_space<vmem>>[vector<16xi32>], vector<16xf32>,
      %get3A_120 = arith.constant 80 : index
      %get3A_121 = tpu.vector_load %arg12[%get3A_120] {strides = array<i32>} : memref<128xi32, #tpu.memory_space<vmem>>, vector<16xi32>,
      tpu.vector_store_idx %arg16[%get3A_121], %broadcast_in_dim3A_23 {add = true} : memref<1024xf32, #tpu.memory_space<vmem>>[vector<16xi32>], vector<16xf32>,
      %get3A_122 = arith.constant 96 : index
      %get3A_123 = tpu.vector_load %arg12[%get3A_122] {strides = array<i32>} : memref<128xi32, #tpu.memory_space<vmem>>, vector<16xi32>,
      tpu.vector_store_idx %arg16[%get3A_123], %broadcast_in_dim3A_23 {add = true} : memref<1024xf32, #tpu.memory_space<vmem>>[vector<16xi32>], vector<16xf32>,
      %get3A_124 = arith.constant 112 : index
      %get3A_125 = tpu.vector_load %arg12[%get3A_124] {strides = array<i32>} : memref<128xi32, #tpu.memory_space<vmem>>, vector<16xi32>,
      tpu.vector_store_idx %arg16[%get3A_125], %broadcast_in_dim3A_23 {add = true} : memref<1024xf32, #tpu.memory_space<vmem>>[vector<16xi32>], vector<16xf32>,
      %get3A_126 = arith.constant 0 : index
      %get3A_127 = tpu.vector_load %arg13[%get3A_126] {strides = array<i32>} : memref<128xi32, #tpu.memory_space<vmem>>, vector<16xi32>,
      tpu.vector_store_idx %arg16[%get3A_127], %broadcast_in_dim3A_23 {add = true} : memref<1024xf32, #tpu.memory_space<vmem>>[vector<16xi32>], vector<16xf32>,
      %get3A_128 = arith.constant 16 : index
      %get3A_129 = tpu.vector_load %arg13[%get3A_128] {strides = array<i32>} : memref<128xi32, #tpu.memory_space<vmem>>, vector<16xi32>,
      tpu.vector_store_idx %arg16[%get3A_129], %broadcast_in_dim3A_23 {add = true} : memref<1024xf32, #tpu.memory_space<vmem>>[vector<16xi32>], vector<16xf32>,
      %get3A_130 = arith.constant 32 : index
      %get3A_131 = tpu.vector_load %arg13[%get3A_130] {strides = array<i32>} : memref<128xi32, #tpu.memory_space<vmem>>, vector<16xi32>,
      tpu.vector_store_idx %arg16[%get3A_131], %broadcast_in_dim3A_23 {add = true} : memref<1024xf32, #tpu.memory_space<vmem>>[vector<16xi32>], vector<16xf32>,
      %get3A_132 = arith.constant 48 : index
      %get3A_133 = tpu.vector_load %arg13[%get3A_132] {strides = array<i32>} : memref<128xi32, #tpu.memory_space<vmem>>, vector<16xi32>,
      tpu.vector_store_idx %arg16[%get3A_133], %broadcast_in_dim3A_23 {add = true} : memref<1024xf32, #tpu.memory_space<vmem>>[vector<16xi32>], vector<16xf32>,
      %get3A_134 = arith.constant 64 : index
      %get3A_135 = tpu.vector_load %arg13[%get3A_134] {strides = array<i32>} : memref<128xi32, #tpu.memory_space<vmem>>, vector<16xi32>,
      tpu.vector_store_idx %arg16[%get3A_135], %broadcast_in_dim3A_23 {add = true} : memref<1024xf32, #tpu.memory_space<vmem>>[vector<16xi32>], vector<16xf32>,
      %get3A_136 = arith.constant 80 : index
      %get3A_137 = tpu.vector_load %arg13[%get3A_136] {strides = array<i32>} : memref<128xi32, #tpu.memory_space<vmem>>, vector<16xi32>,
      tpu.vector_store_idx %arg16[%get3A_137], %broadcast_in_dim3A_23 {add = true} : memref<1024xf32, #tpu.memory_space<vmem>>[vector<16xi32>], vector<16xf32>,
      %get3A_138 = arith.constant 96 : index
      %get3A_139 = tpu.vector_load %arg13[%get3A_138] {strides = array<i32>} : memref<128xi32, #tpu.memory_space<vmem>>, vector<16xi32>,
      tpu.vector_store_idx %arg16[%get3A_139], %broadcast_in_dim3A_23 {add = true} : memref<1024xf32, #tpu.memory_space<vmem>>[vector<16xi32>], vector<16xf32>,
      %get3A_140 = arith.constant 112 : index
      %get3A_141 = tpu.vector_load %arg13[%get3A_140] {strides = array<i32>} : memref<128xi32, #tpu.memory_space<vmem>>, vector<16xi32>,
      tpu.vector_store_idx %arg16[%get3A_141], %broadcast_in_dim3A_23 {add = true} : memref<1024xf32, #tpu.memory_space<vmem>>[vector<16xi32>], vector<16xf32>,
      %dma_wait3A_142 = arith.constant 0 : i32
      %dma_wait3A_143 = arith.constant 0 : i32
      %dma_wait3A_144 = tpu.memref_slice %arg7[%dma_wait3A_142, %dma_wait3A_143] : memref<256x128xf32, #tpu.memory_space<vmem>> -> memref<128x128xf32, #tpu.memory_space<vmem>>
      %dma_wait3A_145 = arith.constant 0 : i32
      %dma_wait3A_146 = arith.constant 0 : i32
      %dma_wait3A_147 = tpu.memref_slice %arg17[%dma_wait3A_145, %dma_wait3A_146] : memref<1024x128xf32, #tpu.memory_space<vmem_shared>> -> memref<1024x128xf32, #tpu.memory_space<vmem_shared>>
      tpu.wait_indirect_dma semaphore(%arg21 : memref<!tpu.dma_semaphore, #tpu.memory_space<semaphore_mem>>) src(%dma_wait3A_144 : memref<128x128xf32, #tpu.memory_space<vmem>>) dst(%dma_wait3A_147 : memref<1024x128xf32, #tpu.memory_space<vmem_shared>>)
      %dma_wait3A_148 = arith.constant 128 : i32
      %dma_wait3A_149 = arith.constant 0 : i32
      %dma_wait3A_150 = tpu.memref_slice %arg7[%dma_wait3A_148, %dma_wait3A_149] : memref<256x128xf32, #tpu.memory_space<vmem>> -> memref<128x128xf32, #tpu.memory_space<vmem>>
      %dma_wait3A_151 = arith.constant 0 : i32
      %dma_wait3A_152 = arith.constant 0 : i32
      %dma_wait3A_153 = tpu.memref_slice %arg17[%dma_wait3A_151, %dma_wait3A_152] : memref<1024x128xf32, #tpu.memory_space<vmem_shared>> -> memref<1024x128xf32, #tpu.memory_space<vmem_shared>>
      tpu.wait_indirect_dma semaphore(%arg21 : memref<!tpu.dma_semaphore, #tpu.memory_space<semaphore_mem>>) src(%dma_wait3A_150 : memref<128x128xf32, #tpu.memory_space<vmem>>) dst(%dma_wait3A_153 : memref<1024x128xf32, #tpu.memory_space<vmem_shared>>)
      %add3A_154 = arith.constant 2 : i32
      %add3A_155 = arith.addi %add3A_40, %add3A_154 : i32
      %lt3A_156 = arith.cmpi slt, %add3A_155, %add3A_13 : i32
      %convert_element_type3A_157 = arith.extui %lt3A_156 : i1 to i32
      %cond3A_158 = arith.constant 0 : i32
      %cond3A_159 = arith.cmpi ne, %convert_element_type3A_157, %cond3A_158 : i32
      scf.if %cond3A_159 {
        %mul3A_160 = arith.constant 256 : i32
        %mul3A_161 = arith.muli %add3A_155, %mul3A_160 : i32
        %dma_start3A_162 = arith.constant 0 : i32
        %dma_start3A_163 = tpu.memref_slice %arg2[%mul3A_161, %dma_start3A_162] : memref<320000x128xf32, #tpu.memory_space<hbm>> -> memref<256x128xf32, #tpu.memory_space<hbm>>
        %dma_start3A_164 = arith.constant 0 : i32
        %dma_start3A_165 = tpu.memref_slice %arg2[%mul3A_161, %dma_start3A_164] : memref<320000x128xf32, #tpu.memory_space<hbm>> -> memref<256x128xf32, #tpu.memory_space<hbm>>
        tpu.enqueue_dma source(%dma_start3A_165 : memref<256x128xf32, #tpu.memory_space<hbm>>) target(%arg7 : memref<256x128xf32, #tpu.memory_space<vmem>>) target_semaphore(%arg18 : memref<!tpu.dma_semaphore, #tpu.memory_space<semaphore_mem>>)
        %mul3A_166 = arith.constant 256 : i32
        %mul3A_167 = arith.muli %add3A_155, %mul3A_166 : i32
        %add3A_168 = arith.constant 0 : i32
        %add3A_169 = arith.addi %mul3A_167, %add3A_168 : i32
        %dma_start3A_170 = tpu.memref_slice %arg3[%add3A_169] : memref<320000xi32, #tpu.memory_space<hbm>> -> memref<128xi32, #tpu.memory_space<hbm>>
        %dma_start3A_171 = tpu.memref_slice %arg3[%add3A_169] : memref<320000xi32, #tpu.memory_space<hbm>> -> memref<128xi32, #tpu.memory_space<hbm>>
        tpu.enqueue_dma source(%dma_start3A_171 : memref<128xi32, #tpu.memory_space<hbm>>) target(%arg10 : memref<128xi32, #tpu.memory_space<vmem>>) target_semaphore(%arg18 : memref<!tpu.dma_semaphore, #tpu.memory_space<semaphore_mem>>)
        %mul3A_172 = arith.constant 256 : i32
        %mul3A_173 = arith.muli %add3A_155, %mul3A_172 : i32
        %add3A_174 = arith.constant 128 : i32
        %add3A_175 = arith.addi %mul3A_173, %add3A_174 : i32
        %dma_start3A_176 = tpu.memref_slice %arg3[%add3A_175] : memref<320000xi32, #tpu.memory_space<hbm>> -> memref<128xi32, #tpu.memory_space<hbm>>
        %dma_start3A_177 = tpu.memref_slice %arg3[%add3A_175] : memref<320000xi32, #tpu.memory_space<hbm>> -> memref<128xi32, #tpu.memory_space<hbm>>
        tpu.enqueue_dma source(%dma_start3A_177 : memref<128xi32, #tpu.memory_space<hbm>>) target(%arg11 : memref<128xi32, #tpu.memory_space<vmem>>) target_semaphore(%arg18 : memref<!tpu.dma_semaphore, #tpu.memory_space<semaphore_mem>>)
      } else {
      }
    } else {
    }
    %add3A_45 = arith.constant 2 : i32
    %add3A_46 = arith.addi %add3A_4, %add3A_45 : i32
    %lt3A_47 = arith.cmpi slt, %add3A_46, %add3A_13 : i32
    %convert_element_type3A_48 = arith.extui %lt3A_47 : i1 to i32
    %cond3A_49 = arith.constant 0 : i32
    %cond3A_50 = arith.cmpi ne, %convert_element_type3A_48, %cond3A_49 : i32
    scf.if %cond3A_50 {
      %mul3A_83 = arith.constant 256 : i32
      %mul3A_84 = arith.muli %add3A_46, %mul3A_83 : i32
      %dma_wait3A = arith.constant 0 : i32
      %dma_wait3A_85 = tpu.memref_slice %arg2[%mul3A_84, %dma_wait3A] : memref<320000x128xf32, #tpu.memory_space<hbm>> -> memref<256x128xf32, #tpu.memory_space<hbm>>
      %dma_wait3A_86 = arith.constant 0 : i32
      %dma_wait3A_87 = tpu.memref_slice %arg2[%mul3A_84, %dma_wait3A_86] : memref<320000x128xf32, #tpu.memory_space<hbm>> -> memref<256x128xf32, #tpu.memory_space<hbm>>
      tpu.wait_dma2 semaphore(%arg20 : memref<!tpu.dma_semaphore, #tpu.memory_space<semaphore_mem>>) src(%dma_wait3A_87 : memref<256x128xf32, #tpu.memory_space<hbm>>) dst(%arg9 : memref<256x128xf32, #tpu.memory_space<vmem>>)
      %mul3A_88 = arith.constant 256 : i32
      %mul3A_89 = arith.muli %add3A_46, %mul3A_88 : i32
      %add3A_90 = arith.constant 0 : i32
      %add3A_91 = arith.addi %mul3A_89, %add3A_90 : i32
      %dma_wait3A_92 = tpu.memref_slice %arg3[%add3A_91] : memref<320000xi32, #tpu.memory_space<hbm>> -> memref<128xi32, #tpu.memory_space<hbm>>
      %dma_wait3A_93 = tpu.memref_slice %arg3[%add3A_91] : memref<320000xi32, #tpu.memory_space<hbm>> -> memref<128xi32, #tpu.memory_space<hbm>>
      tpu.wait_dma2 semaphore(%arg20 : memref<!tpu.dma_semaphore, #tpu.memory_space<semaphore_mem>>) src(%dma_wait3A_93 : memref<128xi32, #tpu.memory_space<hbm>>) dst(%arg14 : memref<128xi32, #tpu.memory_space<vmem>>)
      %mul3A_94 = arith.constant 256 : i32
      %mul3A_95 = arith.muli %add3A_46, %mul3A_94 : i32
      %add3A_96 = arith.constant 128 : i32
      %add3A_97 = arith.addi %mul3A_95, %add3A_96 : i32
      %dma_wait3A_98 = tpu.memref_slice %arg3[%add3A_97] : memref<320000xi32, #tpu.memory_space<hbm>> -> memref<128xi32, #tpu.memory_space<hbm>>
      %dma_wait3A_99 = tpu.memref_slice %arg3[%add3A_97] : memref<320000xi32, #tpu.memory_space<hbm>> -> memref<128xi32, #tpu.memory_space<hbm>>
      tpu.wait_dma2 semaphore(%arg20 : memref<!tpu.dma_semaphore, #tpu.memory_space<semaphore_mem>>) src(%dma_wait3A_99 : memref<128xi32, #tpu.memory_space<hbm>>) dst(%arg15 : memref<128xi32, #tpu.memory_space<vmem>>)
      %dma_start3A = arith.constant 0 : i32
      %dma_start3A_100 = arith.constant 0 : i32
      %dma_start3A_101 = tpu.memref_slice %arg9[%dma_start3A, %dma_start3A_100] : memref<256x128xf32, #tpu.memory_space<vmem>> -> memref<128x128xf32, #tpu.memory_space<vmem>>
      %dma_start3A_102 = arith.constant 0 : i32
      %dma_start3A_103 = arith.constant 0 : i32
      %dma_start3A_104 = tpu.memref_slice %arg17[%dma_start3A_102, %dma_start3A_103] : memref<1024x128xf32, #tpu.memory_space<vmem_shared>> -> memref<1024x128xf32, #tpu.memory_space<vmem_shared>>
      tpu.enqueue_indirect_dma source(%dma_start3A_101 : memref<128x128xf32, #tpu.memory_space<vmem>>) target(%dma_start3A_104 : memref<1024x128xf32, #tpu.memory_space<vmem_shared>>) offsets(%arg14 : memref<128xi32, #tpu.memory_space<vmem>>) semaphore(%arg23 : memref<!tpu.dma_semaphore, #tpu.memory_space<semaphore_mem>>) {add = true}
      %dma_start3A_105 = arith.constant 128 : i32
      %dma_start3A_106 = arith.constant 0 : i32
      %dma_start3A_107 = tpu.memref_slice %arg9[%dma_start3A_105, %dma_start3A_106] : memref<256x128xf32, #tpu.memory_space<vmem>> -> memref<128x128xf32, #tpu.memory_space<vmem>>
      %dma_start3A_108 = arith.constant 0 : i32
      %dma_start3A_109 = arith.constant 0 : i32
      %dma_start3A_110 = tpu.memref_slice %arg17[%dma_start3A_108, %dma_start3A_109] : memref<1024x128xf32, #tpu.memory_space<vmem_shared>> -> memref<1024x128xf32, #tpu.memory_space<vmem_shared>>
      tpu.enqueue_indirect_dma source(%dma_start3A_107 : memref<128x128xf32, #tpu.memory_space<vmem>>) target(%dma_start3A_110 : memref<1024x128xf32, #tpu.memory_space<vmem_shared>>) offsets(%arg15 : memref<128xi32, #tpu.memory_space<vmem>>) semaphore(%arg23 : memref<!tpu.dma_semaphore, #tpu.memory_space<semaphore_mem>>) {add = true}
      %get3A = arith.constant 0 : index
      %get3A_111 = tpu.vector_load %arg14[%get3A] {strides = array<i32>} : memref<128xi32, #tpu.memory_space<vmem>>, vector<16xi32>,
      tpu.vector_store_idx %arg16[%get3A_111], %broadcast_in_dim3A_23 {add = true} : memref<1024xf32, #tpu.memory_space<vmem>>[vector<16xi32>], vector<16xf32>,
      %get3A_112 = arith.constant 16 : index
      %get3A_113 = tpu.vector_load %arg14[%get3A_112] {strides = array<i32>} : memref<128xi32, #tpu.memory_space<vmem>>, vector<16xi32>,
      tpu.vector_store_idx %arg16[%get3A_113], %broadcast_in_dim3A_23 {add = true} : memref<1024xf32, #tpu.memory_space<vmem>>[vector<16xi32>], vector<16xf32>,
      %get3A_114 = arith.constant 32 : index
      %get3A_115 = tpu.vector_load %arg14[%get3A_114] {strides = array<i32>} : memref<128xi32, #tpu.memory_space<vmem>>, vector<16xi32>,
      tpu.vector_store_idx %arg16[%get3A_115], %broadcast_in_dim3A_23 {add = true} : memref<1024xf32, #tpu.memory_space<vmem>>[vector<16xi32>], vector<16xf32>,
      %get3A_116 = arith.constant 48 : index
      %get3A_117 = tpu.vector_load %arg14[%get3A_116] {strides = array<i32>} : memref<128xi32, #tpu.memory_space<vmem>>, vector<16xi32>,
      tpu.vector_store_idx %arg16[%get3A_117], %broadcast_in_dim3A_23 {add = true} : memref<1024xf32, #tpu.memory_space<vmem>>[vector<16xi32>], vector<16xf32>,
      %get3A_118 = arith.constant 64 : index
      %get3A_119 = tpu.vector_load %arg14[%get3A_118] {strides = array<i32>} : memref<128xi32, #tpu.memory_space<vmem>>, vector<16xi32>,
      tpu.vector_store_idx %arg16[%get3A_119], %broadcast_in_dim3A_23 {add = true} : memref<1024xf32, #tpu.memory_space<vmem>>[vector<16xi32>], vector<16xf32>,
      %get3A_120 = arith.constant 80 : index
      %get3A_121 = tpu.vector_load %arg14[%get3A_120] {strides = array<i32>} : memref<128xi32, #tpu.memory_space<vmem>>, vector<16xi32>,
      tpu.vector_store_idx %arg16[%get3A_121], %broadcast_in_dim3A_23 {add = true} : memref<1024xf32, #tpu.memory_space<vmem>>[vector<16xi32>], vector<16xf32>,
      %get3A_122 = arith.constant 96 : index
      %get3A_123 = tpu.vector_load %arg14[%get3A_122] {strides = array<i32>} : memref<128xi32, #tpu.memory_space<vmem>>, vector<16xi32>,
      tpu.vector_store_idx %arg16[%get3A_123], %broadcast_in_dim3A_23 {add = true} : memref<1024xf32, #tpu.memory_space<vmem>>[vector<16xi32>], vector<16xf32>,
      %get3A_124 = arith.constant 112 : index
      %get3A_125 = tpu.vector_load %arg14[%get3A_124] {strides = array<i32>} : memref<128xi32, #tpu.memory_space<vmem>>, vector<16xi32>,
      tpu.vector_store_idx %arg16[%get3A_125], %broadcast_in_dim3A_23 {add = true} : memref<1024xf32, #tpu.memory_space<vmem>>[vector<16xi32>], vector<16xf32>,
      %get3A_126 = arith.constant 0 : index
      %get3A_127 = tpu.vector_load %arg15[%get3A_126] {strides = array<i32>} : memref<128xi32, #tpu.memory_space<vmem>>, vector<16xi32>,
      tpu.vector_store_idx %arg16[%get3A_127], %broadcast_in_dim3A_23 {add = true} : memref<1024xf32, #tpu.memory_space<vmem>>[vector<16xi32>], vector<16xf32>,
      %get3A_128 = arith.constant 16 : index
      %get3A_129 = tpu.vector_load %arg15[%get3A_128] {strides = array<i32>} : memref<128xi32, #tpu.memory_space<vmem>>, vector<16xi32>,
      tpu.vector_store_idx %arg16[%get3A_129], %broadcast_in_dim3A_23 {add = true} : memref<1024xf32, #tpu.memory_space<vmem>>[vector<16xi32>], vector<16xf32>,
      %get3A_130 = arith.constant 32 : index
      %get3A_131 = tpu.vector_load %arg15[%get3A_130] {strides = array<i32>} : memref<128xi32, #tpu.memory_space<vmem>>, vector<16xi32>,
      tpu.vector_store_idx %arg16[%get3A_131], %broadcast_in_dim3A_23 {add = true} : memref<1024xf32, #tpu.memory_space<vmem>>[vector<16xi32>], vector<16xf32>,
      %get3A_132 = arith.constant 48 : index
      %get3A_133 = tpu.vector_load %arg15[%get3A_132] {strides = array<i32>} : memref<128xi32, #tpu.memory_space<vmem>>, vector<16xi32>,
      tpu.vector_store_idx %arg16[%get3A_133], %broadcast_in_dim3A_23 {add = true} : memref<1024xf32, #tpu.memory_space<vmem>>[vector<16xi32>], vector<16xf32>,
      %get3A_134 = arith.constant 64 : index
      %get3A_135 = tpu.vector_load %arg15[%get3A_134] {strides = array<i32>} : memref<128xi32, #tpu.memory_space<vmem>>, vector<16xi32>,
      tpu.vector_store_idx %arg16[%get3A_135], %broadcast_in_dim3A_23 {add = true} : memref<1024xf32, #tpu.memory_space<vmem>>[vector<16xi32>], vector<16xf32>,
      %get3A_136 = arith.constant 80 : index
      %get3A_137 = tpu.vector_load %arg15[%get3A_136] {strides = array<i32>} : memref<128xi32, #tpu.memory_space<vmem>>, vector<16xi32>,
      tpu.vector_store_idx %arg16[%get3A_137], %broadcast_in_dim3A_23 {add = true} : memref<1024xf32, #tpu.memory_space<vmem>>[vector<16xi32>], vector<16xf32>,
      %get3A_138 = arith.constant 96 : index
      %get3A_139 = tpu.vector_load %arg15[%get3A_138] {strides = array<i32>} : memref<128xi32, #tpu.memory_space<vmem>>, vector<16xi32>,
      tpu.vector_store_idx %arg16[%get3A_139], %broadcast_in_dim3A_23 {add = true} : memref<1024xf32, #tpu.memory_space<vmem>>[vector<16xi32>], vector<16xf32>,
      %get3A_140 = arith.constant 112 : index
      %get3A_141 = tpu.vector_load %arg15[%get3A_140] {strides = array<i32>} : memref<128xi32, #tpu.memory_space<vmem>>, vector<16xi32>,
      tpu.vector_store_idx %arg16[%get3A_141], %broadcast_in_dim3A_23 {add = true} : memref<1024xf32, #tpu.memory_space<vmem>>[vector<16xi32>], vector<16xf32>,
      %dma_wait3A_142 = arith.constant 0 : i32
      %dma_wait3A_143 = arith.constant 0 : i32
      %dma_wait3A_144 = tpu.memref_slice %arg8[%dma_wait3A_142, %dma_wait3A_143] : memref<256x128xf32, #tpu.memory_space<vmem>> -> memref<128x128xf32, #tpu.memory_space<vmem>>
      %dma_wait3A_145 = arith.constant 0 : i32
      %dma_wait3A_146 = arith.constant 0 : i32
      %dma_wait3A_147 = tpu.memref_slice %arg17[%dma_wait3A_145, %dma_wait3A_146] : memref<1024x128xf32, #tpu.memory_space<vmem_shared>> -> memref<1024x128xf32, #tpu.memory_space<vmem_shared>>
      tpu.wait_indirect_dma semaphore(%arg22 : memref<!tpu.dma_semaphore, #tpu.memory_space<semaphore_mem>>) src(%dma_wait3A_144 : memref<128x128xf32, #tpu.memory_space<vmem>>) dst(%dma_wait3A_147 : memref<1024x128xf32, #tpu.memory_space<vmem_shared>>)
      %dma_wait3A_148 = arith.constant 128 : i32
      %dma_wait3A_149 = arith.constant 0 : i32
      %dma_wait3A_150 = tpu.memref_slice %arg8[%dma_wait3A_148, %dma_wait3A_149] : memref<256x128xf32, #tpu.memory_space<vmem>> -> memref<128x128xf32, #tpu.memory_space<vmem>>
      %dma_wait3A_151 = arith.constant 0 : i32
      %dma_wait3A_152 = arith.constant 0 : i32
      %dma_wait3A_153 = tpu.memref_slice %arg17[%dma_wait3A_151, %dma_wait3A_152] : memref<1024x128xf32, #tpu.memory_space<vmem_shared>> -> memref<1024x128xf32, #tpu.memory_space<vmem_shared>>
      tpu.wait_indirect_dma semaphore(%arg22 : memref<!tpu.dma_semaphore, #tpu.memory_space<semaphore_mem>>) src(%dma_wait3A_150 : memref<128x128xf32, #tpu.memory_space<vmem>>) dst(%dma_wait3A_153 : memref<1024x128xf32, #tpu.memory_space<vmem_shared>>)
      %add3A_154 = arith.constant 2 : i32
      %add3A_155 = arith.addi %add3A_46, %add3A_154 : i32
      %lt3A_156 = arith.cmpi slt, %add3A_155, %add3A_13 : i32
      %convert_element_type3A_157 = arith.extui %lt3A_156 : i1 to i32
      %cond3A_158 = arith.constant 0 : i32
      %cond3A_159 = arith.cmpi ne, %convert_element_type3A_157, %cond3A_158 : i32
      scf.if %cond3A_159 {
        %mul3A_160 = arith.constant 256 : i32
        %mul3A_161 = arith.muli %add3A_155, %mul3A_160 : i32
        %dma_start3A_162 = arith.constant 0 : i32
        %dma_start3A_163 = tpu.memref_slice %arg2[%mul3A_161, %dma_start3A_162] : memref<320000x128xf32, #tpu.memory_space<hbm>> -> memref<256x128xf32, #tpu.memory_space<hbm>>
        %dma_start3A_164 = arith.constant 0 : i32
        %dma_start3A_165 = tpu.memref_slice %arg2[%mul3A_161, %dma_start3A_164] : memref<320000x128xf32, #tpu.memory_space<hbm>> -> memref<256x128xf32, #tpu.memory_space<hbm>>
        tpu.enqueue_dma source(%dma_start3A_165 : memref<256x128xf32, #tpu.memory_space<hbm>>) target(%arg8 : memref<256x128xf32, #tpu.memory_space<vmem>>) target_semaphore(%arg19 : memref<!tpu.dma_semaphore, #tpu.memory_space<semaphore_mem>>)
        %mul3A_166 = arith.constant 256 : i32
        %mul3A_167 = arith.muli %add3A_155, %mul3A_166 : i32
        %add3A_168 = arith.constant 0 : i32
        %add3A_169 = arith.addi %mul3A_167, %add3A_168 : i32
        %dma_start3A_170 = tpu.memref_slice %arg3[%add3A_169] : memref<320000xi32, #tpu.memory_space<hbm>> -> memref<128xi32, #tpu.memory_space<hbm>>
        %dma_start3A_171 = tpu.memref_slice %arg3[%add3A_169] : memref<320000xi32, #tpu.memory_space<hbm>> -> memref<128xi32, #tpu.memory_space<hbm>>
        tpu.enqueue_dma source(%dma_start3A_171 : memref<128xi32, #tpu.memory_space<hbm>>) target(%arg12 : memref<128xi32, #tpu.memory_space<vmem>>) target_semaphore(%arg19 : memref<!tpu.dma_semaphore, #tpu.memory_space<semaphore_mem>>)
        %mul3A_172 = arith.constant 256 : i32
        %mul3A_173 = arith.muli %add3A_155, %mul3A_172 : i32
        %add3A_174 = arith.constant 128 : i32
        %add3A_175 = arith.addi %mul3A_173, %add3A_174 : i32
        %dma_start3A_176 = tpu.memref_slice %arg3[%add3A_175] : memref<320000xi32, #tpu.memory_space<hbm>> -> memref<128xi32, #tpu.memory_space<hbm>>
        %dma_start3A_177 = tpu.memref_slice %arg3[%add3A_175] : memref<320000xi32, #tpu.memory_space<hbm>> -> memref<128xi32, #tpu.memory_space<hbm>>
        tpu.enqueue_dma source(%dma_start3A_177 : memref<128xi32, #tpu.memory_space<hbm>>) target(%arg13 : memref<128xi32, #tpu.memory_space<vmem>>) target_semaphore(%arg19 : memref<!tpu.dma_semaphore, #tpu.memory_space<semaphore_mem>>)
      } else {
      }
    } else {
    }
    %scan3A_51 = arith.constant 0 : i32
    %scan3A_52 = arith.constant 1 : i32
    %scan3A_53 = arith.constant 13 : i32
    %scan3A_54 = arith.addi %scan3A_52, %scan3A_53 : i32
    %scan3A_55 = arith.constant 1 : i32
    scf.for %scan3A_83 = %scan3A_52 to %scan3A_54 step %scan3A_55  : i32 {
      %mul3A_84 = arith.constant 3 : i32
      %mul3A_85 = arith.muli %mul3A_84, %scan3A_83 : i32
      %add3A_86 = arith.addi %add3A_4, %mul3A_85 : i32
      %add3A_87 = arith.constant 0 : i32
      %add3A_88 = arith.addi %add3A_86, %add3A_87 : i32
      %lt3A_89 = arith.cmpi slt, %add3A_88, %add3A_13 : i32
      %convert_element_type3A_90 = arith.extui %lt3A_89 : i1 to i32
      %cond3A_91 = arith.constant 0 : i32
      %cond3A_92 = arith.cmpi ne, %convert_element_type3A_90, %cond3A_91 : i32
      scf.if %cond3A_92 {
        %mul3A_111 = arith.constant 256 : i32
        %mul3A_112 = arith.muli %add3A_88, %mul3A_111 : i32
        %dma_wait3A = arith.constant 0 : i32
        %dma_wait3A_113 = tpu.memref_slice %arg2[%mul3A_112, %dma_wait3A] : memref<320000x128xf32, #tpu.memory_space<hbm>> -> memref<256x128xf32, #tpu.memory_space<hbm>>
        %dma_wait3A_114 = arith.constant 0 : i32
        %dma_wait3A_115 = tpu.memref_slice %arg2[%mul3A_112, %dma_wait3A_114] : memref<320000x128xf32, #tpu.memory_space<hbm>> -> memref<256x128xf32, #tpu.memory_space<hbm>>
        tpu.wait_dma2 semaphore(%arg18 : memref<!tpu.dma_semaphore, #tpu.memory_space<semaphore_mem>>) src(%dma_wait3A_115 : memref<256x128xf32, #tpu.memory_space<hbm>>) dst(%arg7 : memref<256x128xf32, #tpu.memory_space<vmem>>)
        %mul3A_116 = arith.constant 256 : i32
        %mul3A_117 = arith.muli %add3A_88, %mul3A_116 : i32
        %add3A_118 = arith.constant 0 : i32
        %add3A_119 = arith.addi %mul3A_117, %add3A_118 : i32
        %dma_wait3A_120 = tpu.memref_slice %arg3[%add3A_119] : memref<320000xi32, #tpu.memory_space<hbm>> -> memref<128xi32, #tpu.memory_space<hbm>>
        %dma_wait3A_121 = tpu.memref_slice %arg3[%add3A_119] : memref<320000xi32, #tpu.memory_space<hbm>> -> memref<128xi32, #tpu.memory_space<hbm>>
        tpu.wait_dma2 semaphore(%arg18 : memref<!tpu.dma_semaphore, #tpu.memory_space<semaphore_mem>>) src(%dma_wait3A_121 : memref<128xi32, #tpu.memory_space<hbm>>) dst(%arg10 : memref<128xi32, #tpu.memory_space<vmem>>)
        %mul3A_122 = arith.constant 256 : i32
        %mul3A_123 = arith.muli %add3A_88, %mul3A_122 : i32
        %add3A_124 = arith.constant 128 : i32
        %add3A_125 = arith.addi %mul3A_123, %add3A_124 : i32
        %dma_wait3A_126 = tpu.memref_slice %arg3[%add3A_125] : memref<320000xi32, #tpu.memory_space<hbm>> -> memref<128xi32, #tpu.memory_space<hbm>>
        %dma_wait3A_127 = tpu.memref_slice %arg3[%add3A_125] : memref<320000xi32, #tpu.memory_space<hbm>> -> memref<128xi32, #tpu.memory_space<hbm>>
        tpu.wait_dma2 semaphore(%arg18 : memref<!tpu.dma_semaphore, #tpu.memory_space<semaphore_mem>>) src(%dma_wait3A_127 : memref<128xi32, #tpu.memory_space<hbm>>) dst(%arg11 : memref<128xi32, #tpu.memory_space<vmem>>)
        %dma_start3A = arith.constant 0 : i32
        %dma_start3A_128 = arith.constant 0 : i32
        %dma_start3A_129 = tpu.memref_slice %arg7[%dma_start3A, %dma_start3A_128] : memref<256x128xf32, #tpu.memory_space<vmem>> -> memref<128x128xf32, #tpu.memory_space<vmem>>
        %dma_start3A_130 = arith.constant 0 : i32
        %dma_start3A_131 = arith.constant 0 : i32
        %dma_start3A_132 = tpu.memref_slice %arg17[%dma_start3A_130, %dma_start3A_131] : memref<1024x128xf32, #tpu.memory_space<vmem_shared>> -> memref<1024x128xf32, #tpu.memory_space<vmem_shared>>
        tpu.enqueue_indirect_dma source(%dma_start3A_129 : memref<128x128xf32, #tpu.memory_space<vmem>>) target(%dma_start3A_132 : memref<1024x128xf32, #tpu.memory_space<vmem_shared>>) offsets(%arg10 : memref<128xi32, #tpu.memory_space<vmem>>) semaphore(%arg21 : memref<!tpu.dma_semaphore, #tpu.memory_space<semaphore_mem>>) {add = true}
        %dma_start3A_133 = arith.constant 128 : i32
        %dma_start3A_134 = arith.constant 0 : i32
        %dma_start3A_135 = tpu.memref_slice %arg7[%dma_start3A_133, %dma_start3A_134] : memref<256x128xf32, #tpu.memory_space<vmem>> -> memref<128x128xf32, #tpu.memory_space<vmem>>
        %dma_start3A_136 = arith.constant 0 : i32
        %dma_start3A_137 = arith.constant 0 : i32
        %dma_start3A_138 = tpu.memref_slice %arg17[%dma_start3A_136, %dma_start3A_137] : memref<1024x128xf32, #tpu.memory_space<vmem_shared>> -> memref<1024x128xf32, #tpu.memory_space<vmem_shared>>
        tpu.enqueue_indirect_dma source(%dma_start3A_135 : memref<128x128xf32, #tpu.memory_space<vmem>>) target(%dma_start3A_138 : memref<1024x128xf32, #tpu.memory_space<vmem_shared>>) offsets(%arg11 : memref<128xi32, #tpu.memory_space<vmem>>) semaphore(%arg21 : memref<!tpu.dma_semaphore, #tpu.memory_space<semaphore_mem>>) {add = true}
        %get3A = arith.constant 0 : index
        %get3A_139 = tpu.vector_load %arg10[%get3A] {strides = array<i32>} : memref<128xi32, #tpu.memory_space<vmem>>, vector<16xi32>,
        tpu.vector_store_idx %arg16[%get3A_139], %broadcast_in_dim3A_23 {add = true} : memref<1024xf32, #tpu.memory_space<vmem>>[vector<16xi32>], vector<16xf32>,
        %get3A_140 = arith.constant 16 : index
        %get3A_141 = tpu.vector_load %arg10[%get3A_140] {strides = array<i32>} : memref<128xi32, #tpu.memory_space<vmem>>, vector<16xi32>,
        tpu.vector_store_idx %arg16[%get3A_141], %broadcast_in_dim3A_23 {add = true} : memref<1024xf32, #tpu.memory_space<vmem>>[vector<16xi32>], vector<16xf32>,
        %get3A_142 = arith.constant 32 : index
        %get3A_143 = tpu.vector_load %arg10[%get3A_142] {strides = array<i32>} : memref<128xi32, #tpu.memory_space<vmem>>, vector<16xi32>,
        tpu.vector_store_idx %arg16[%get3A_143], %broadcast_in_dim3A_23 {add = true} : memref<1024xf32, #tpu.memory_space<vmem>>[vector<16xi32>], vector<16xf32>,
        %get3A_144 = arith.constant 48 : index
        %get3A_145 = tpu.vector_load %arg10[%get3A_144] {strides = array<i32>} : memref<128xi32, #tpu.memory_space<vmem>>, vector<16xi32>,
        tpu.vector_store_idx %arg16[%get3A_145], %broadcast_in_dim3A_23 {add = true} : memref<1024xf32, #tpu.memory_space<vmem>>[vector<16xi32>], vector<16xf32>,
        %get3A_146 = arith.constant 64 : index
        %get3A_147 = tpu.vector_load %arg10[%get3A_146] {strides = array<i32>} : memref<128xi32, #tpu.memory_space<vmem>>, vector<16xi32>,
        tpu.vector_store_idx %arg16[%get3A_147], %broadcast_in_dim3A_23 {add = true} : memref<1024xf32, #tpu.memory_space<vmem>>[vector<16xi32>], vector<16xf32>,
        %get3A_148 = arith.constant 80 : index
        %get3A_149 = tpu.vector_load %arg10[%get3A_148] {strides = array<i32>} : memref<128xi32, #tpu.memory_space<vmem>>, vector<16xi32>,
        tpu.vector_store_idx %arg16[%get3A_149], %broadcast_in_dim3A_23 {add = true} : memref<1024xf32, #tpu.memory_space<vmem>>[vector<16xi32>], vector<16xf32>,
        %get3A_150 = arith.constant 96 : index
        %get3A_151 = tpu.vector_load %arg10[%get3A_150] {strides = array<i32>} : memref<128xi32, #tpu.memory_space<vmem>>, vector<16xi32>,
        tpu.vector_store_idx %arg16[%get3A_151], %broadcast_in_dim3A_23 {add = true} : memref<1024xf32, #tpu.memory_space<vmem>>[vector<16xi32>], vector<16xf32>,
        %get3A_152 = arith.constant 112 : index
        %get3A_153 = tpu.vector_load %arg10[%get3A_152] {strides = array<i32>} : memref<128xi32, #tpu.memory_space<vmem>>, vector<16xi32>,
        tpu.vector_store_idx %arg16[%get3A_153], %broadcast_in_dim3A_23 {add = true} : memref<1024xf32, #tpu.memory_space<vmem>>[vector<16xi32>], vector<16xf32>,
        %get3A_154 = arith.constant 0 : index
        %get3A_155 = tpu.vector_load %arg11[%get3A_154] {strides = array<i32>} : memref<128xi32, #tpu.memory_space<vmem>>, vector<16xi32>,
        tpu.vector_store_idx %arg16[%get3A_155], %broadcast_in_dim3A_23 {add = true} : memref<1024xf32, #tpu.memory_space<vmem>>[vector<16xi32>], vector<16xf32>,
        %get3A_156 = arith.constant 16 : index
        %get3A_157 = tpu.vector_load %arg11[%get3A_156] {strides = array<i32>} : memref<128xi32, #tpu.memory_space<vmem>>, vector<16xi32>,
        tpu.vector_store_idx %arg16[%get3A_157], %broadcast_in_dim3A_23 {add = true} : memref<1024xf32, #tpu.memory_space<vmem>>[vector<16xi32>], vector<16xf32>,
        %get3A_158 = arith.constant 32 : index
        %get3A_159 = tpu.vector_load %arg11[%get3A_158] {strides = array<i32>} : memref<128xi32, #tpu.memory_space<vmem>>, vector<16xi32>,
        tpu.vector_store_idx %arg16[%get3A_159], %broadcast_in_dim3A_23 {add = true} : memref<1024xf32, #tpu.memory_space<vmem>>[vector<16xi32>], vector<16xf32>,
        %get3A_160 = arith.constant 48 : index
        %get3A_161 = tpu.vector_load %arg11[%get3A_160] {strides = array<i32>} : memref<128xi32, #tpu.memory_space<vmem>>, vector<16xi32>,
        tpu.vector_store_idx %arg16[%get3A_161], %broadcast_in_dim3A_23 {add = true} : memref<1024xf32, #tpu.memory_space<vmem>>[vector<16xi32>], vector<16xf32>,
        %get3A_162 = arith.constant 64 : index
        %get3A_163 = tpu.vector_load %arg11[%get3A_162] {strides = array<i32>} : memref<128xi32, #tpu.memory_space<vmem>>, vector<16xi32>,
        tpu.vector_store_idx %arg16[%get3A_163], %broadcast_in_dim3A_23 {add = true} : memref<1024xf32, #tpu.memory_space<vmem>>[vector<16xi32>], vector<16xf32>,
        %get3A_164 = arith.constant 80 : index
        %get3A_165 = tpu.vector_load %arg11[%get3A_164] {strides = array<i32>} : memref<128xi32, #tpu.memory_space<vmem>>, vector<16xi32>,
        tpu.vector_store_idx %arg16[%get3A_165], %broadcast_in_dim3A_23 {add = true} : memref<1024xf32, #tpu.memory_space<vmem>>[vector<16xi32>], vector<16xf32>,
        %get3A_166 = arith.constant 96 : index
        %get3A_167 = tpu.vector_load %arg11[%get3A_166] {strides = array<i32>} : memref<128xi32, #tpu.memory_space<vmem>>, vector<16xi32>,
        tpu.vector_store_idx %arg16[%get3A_167], %broadcast_in_dim3A_23 {add = true} : memref<1024xf32, #tpu.memory_space<vmem>>[vector<16xi32>], vector<16xf32>,
        %get3A_168 = arith.constant 112 : index
        %get3A_169 = tpu.vector_load %arg11[%get3A_168] {strides = array<i32>} : memref<128xi32, #tpu.memory_space<vmem>>, vector<16xi32>,
        tpu.vector_store_idx %arg16[%get3A_169], %broadcast_in_dim3A_23 {add = true} : memref<1024xf32, #tpu.memory_space<vmem>>[vector<16xi32>], vector<16xf32>,
        %dma_wait3A_170 = arith.constant 0 : i32
        %dma_wait3A_171 = arith.constant 0 : i32
        %dma_wait3A_172 = tpu.memref_slice %arg9[%dma_wait3A_170, %dma_wait3A_171] : memref<256x128xf32, #tpu.memory_space<vmem>> -> memref<128x128xf32, #tpu.memory_space<vmem>>
        %dma_wait3A_173 = arith.constant 0 : i32
        %dma_wait3A_174 = arith.constant 0 : i32
        %dma_wait3A_175 = tpu.memref_slice %arg17[%dma_wait3A_173, %dma_wait3A_174] : memref<1024x128xf32, #tpu.memory_space<vmem_shared>> -> memref<1024x128xf32, #tpu.memory_space<vmem_shared>>
        tpu.wait_indirect_dma semaphore(%arg23 : memref<!tpu.dma_semaphore, #tpu.memory_space<semaphore_mem>>) src(%dma_wait3A_172 : memref<128x128xf32, #tpu.memory_space<vmem>>) dst(%dma_wait3A_175 : memref<1024x128xf32, #tpu.memory_space<vmem_shared>>)
        %dma_wait3A_176 = arith.constant 128 : i32
        %dma_wait3A_177 = arith.constant 0 : i32
        %dma_wait3A_178 = tpu.memref_slice %arg9[%dma_wait3A_176, %dma_wait3A_177] : memref<256x128xf32, #tpu.memory_space<vmem>> -> memref<128x128xf32, #tpu.memory_space<vmem>>
        %dma_wait3A_179 = arith.constant 0 : i32
        %dma_wait3A_180 = arith.constant 0 : i32
        %dma_wait3A_181 = tpu.memref_slice %arg17[%dma_wait3A_179, %dma_wait3A_180] : memref<1024x128xf32, #tpu.memory_space<vmem_shared>> -> memref<1024x128xf32, #tpu.memory_space<vmem_shared>>
        tpu.wait_indirect_dma semaphore(%arg23 : memref<!tpu.dma_semaphore, #tpu.memory_space<semaphore_mem>>) src(%dma_wait3A_178 : memref<128x128xf32, #tpu.memory_space<vmem>>) dst(%dma_wait3A_181 : memref<1024x128xf32, #tpu.memory_space<vmem_shared>>)
        %add3A_182 = arith.constant 2 : i32
        %add3A_183 = arith.addi %add3A_88, %add3A_182 : i32
        %lt3A_184 = arith.cmpi slt, %add3A_183, %add3A_13 : i32
        %convert_element_type3A_185 = arith.extui %lt3A_184 : i1 to i32
        %cond3A_186 = arith.constant 0 : i32
        %cond3A_187 = arith.cmpi ne, %convert_element_type3A_185, %cond3A_186 : i32
        scf.if %cond3A_187 {
          %mul3A_188 = arith.constant 256 : i32
          %mul3A_189 = arith.muli %add3A_183, %mul3A_188 : i32
          %dma_start3A_190 = arith.constant 0 : i32
          %dma_start3A_191 = tpu.memref_slice %arg2[%mul3A_189, %dma_start3A_190] : memref<320000x128xf32, #tpu.memory_space<hbm>> -> memref<256x128xf32, #tpu.memory_space<hbm>>
          %dma_start3A_192 = arith.constant 0 : i32
          %dma_start3A_193 = tpu.memref_slice %arg2[%mul3A_189, %dma_start3A_192] : memref<320000x128xf32, #tpu.memory_space<hbm>> -> memref<256x128xf32, #tpu.memory_space<hbm>>
          tpu.enqueue_dma source(%dma_start3A_193 : memref<256x128xf32, #tpu.memory_space<hbm>>) target(%arg9 : memref<256x128xf32, #tpu.memory_space<vmem>>) target_semaphore(%arg20 : memref<!tpu.dma_semaphore, #tpu.memory_space<semaphore_mem>>)
          %mul3A_194 = arith.constant 256 : i32
          %mul3A_195 = arith.muli %add3A_183, %mul3A_194 : i32
          %add3A_196 = arith.constant 0 : i32
          %add3A_197 = arith.addi %mul3A_195, %add3A_196 : i32
          %dma_start3A_198 = tpu.memref_slice %arg3[%add3A_197] : memref<320000xi32, #tpu.memory_space<hbm>> -> memref<128xi32, #tpu.memory_space<hbm>>
          %dma_start3A_199 = tpu.memref_slice %arg3[%add3A_197] : memref<320000xi32, #tpu.memory_space<hbm>> -> memref<128xi32, #tpu.memory_space<hbm>>
          tpu.enqueue_dma source(%dma_start3A_199 : memref<128xi32, #tpu.memory_space<hbm>>) target(%arg14 : memref<128xi32, #tpu.memory_space<vmem>>) target_semaphore(%arg20 : memref<!tpu.dma_semaphore, #tpu.memory_space<semaphore_mem>>)
          %mul3A_200 = arith.constant 256 : i32
          %mul3A_201 = arith.muli %add3A_183, %mul3A_200 : i32
          %add3A_202 = arith.constant 128 : i32
          %add3A_203 = arith.addi %mul3A_201, %add3A_202 : i32
          %dma_start3A_204 = tpu.memref_slice %arg3[%add3A_203] : memref<320000xi32, #tpu.memory_space<hbm>> -> memref<128xi32, #tpu.memory_space<hbm>>
          %dma_start3A_205 = tpu.memref_slice %arg3[%add3A_203] : memref<320000xi32, #tpu.memory_space<hbm>> -> memref<128xi32, #tpu.memory_space<hbm>>
          tpu.enqueue_dma source(%dma_start3A_205 : memref<128xi32, #tpu.memory_space<hbm>>) target(%arg15 : memref<128xi32, #tpu.memory_space<vmem>>) target_semaphore(%arg20 : memref<!tpu.dma_semaphore, #tpu.memory_space<semaphore_mem>>)
        } else {
        }
      } else {
      }
      %mul3A_93 = arith.constant 3 : i32
      %mul3A_94 = arith.muli %mul3A_93, %scan3A_83 : i32
      %add3A_95 = arith.addi %add3A_4, %mul3A_94 : i32
      %add3A_96 = arith.constant 1 : i32
      %add3A_97 = arith.addi %add3A_95, %add3A_96 : i32
      %lt3A_98 = arith.cmpi slt, %add3A_97, %add3A_13 : i32
      %convert_element_type3A_99 = arith.extui %lt3A_98 : i1 to i32
      %cond3A_100 = arith.constant 0 : i32
      %cond3A_101 = arith.cmpi ne, %convert_element_type3A_99, %cond3A_100 : i32
      scf.if %cond3A_101 {
        %mul3A_111 = arith.constant 256 : i32
        %mul3A_112 = arith.muli %add3A_97, %mul3A_111 : i32
        %dma_wait3A = arith.constant 0 : i32
        %dma_wait3A_113 = tpu.memref_slice %arg2[%mul3A_112, %dma_wait3A] : memref<320000x128xf32, #tpu.memory_space<hbm>> -> memref<256x128xf32, #tpu.memory_space<hbm>>
        %dma_wait3A_114 = arith.constant 0 : i32
        %dma_wait3A_115 = tpu.memref_slice %arg2[%mul3A_112, %dma_wait3A_114] : memref<320000x128xf32, #tpu.memory_space<hbm>> -> memref<256x128xf32, #tpu.memory_space<hbm>>
        tpu.wait_dma2 semaphore(%arg19 : memref<!tpu.dma_semaphore, #tpu.memory_space<semaphore_mem>>) src(%dma_wait3A_115 : memref<256x128xf32, #tpu.memory_space<hbm>>) dst(%arg8 : memref<256x128xf32, #tpu.memory_space<vmem>>)
        %mul3A_116 = arith.constant 256 : i32
        %mul3A_117 = arith.muli %add3A_97, %mul3A_116 : i32
        %add3A_118 = arith.constant 0 : i32
        %add3A_119 = arith.addi %mul3A_117, %add3A_118 : i32
        %dma_wait3A_120 = tpu.memref_slice %arg3[%add3A_119] : memref<320000xi32, #tpu.memory_space<hbm>> -> memref<128xi32, #tpu.memory_space<hbm>>
        %dma_wait3A_121 = tpu.memref_slice %arg3[%add3A_119] : memref<320000xi32, #tpu.memory_space<hbm>> -> memref<128xi32, #tpu.memory_space<hbm>>
        tpu.wait_dma2 semaphore(%arg19 : memref<!tpu.dma_semaphore, #tpu.memory_space<semaphore_mem>>) src(%dma_wait3A_121 : memref<128xi32, #tpu.memory_space<hbm>>) dst(%arg12 : memref<128xi32, #tpu.memory_space<vmem>>)
        %mul3A_122 = arith.constant 256 : i32
        %mul3A_123 = arith.muli %add3A_97, %mul3A_122 : i32
        %add3A_124 = arith.constant 128 : i32
        %add3A_125 = arith.addi %mul3A_123, %add3A_124 : i32
        %dma_wait3A_126 = tpu.memref_slice %arg3[%add3A_125] : memref<320000xi32, #tpu.memory_space<hbm>> -> memref<128xi32, #tpu.memory_space<hbm>>
        %dma_wait3A_127 = tpu.memref_slice %arg3[%add3A_125] : memref<320000xi32, #tpu.memory_space<hbm>> -> memref<128xi32, #tpu.memory_space<hbm>>
        tpu.wait_dma2 semaphore(%arg19 : memref<!tpu.dma_semaphore, #tpu.memory_space<semaphore_mem>>) src(%dma_wait3A_127 : memref<128xi32, #tpu.memory_space<hbm>>) dst(%arg13 : memref<128xi32, #tpu.memory_space<vmem>>)
        %dma_start3A = arith.constant 0 : i32
        %dma_start3A_128 = arith.constant 0 : i32
        %dma_start3A_129 = tpu.memref_slice %arg8[%dma_start3A, %dma_start3A_128] : memref<256x128xf32, #tpu.memory_space<vmem>> -> memref<128x128xf32, #tpu.memory_space<vmem>>
        %dma_start3A_130 = arith.constant 0 : i32
        %dma_start3A_131 = arith.constant 0 : i32
        %dma_start3A_132 = tpu.memref_slice %arg17[%dma_start3A_130, %dma_start3A_131] : memref<1024x128xf32, #tpu.memory_space<vmem_shared>> -> memref<1024x128xf32, #tpu.memory_space<vmem_shared>>
        tpu.enqueue_indirect_dma source(%dma_start3A_129 : memref<128x128xf32, #tpu.memory_space<vmem>>) target(%dma_start3A_132 : memref<1024x128xf32, #tpu.memory_space<vmem_shared>>) offsets(%arg12 : memref<128xi32, #tpu.memory_space<vmem>>) semaphore(%arg22 : memref<!tpu.dma_semaphore, #tpu.memory_space<semaphore_mem>>) {add = true}
        %dma_start3A_133 = arith.constant 128 : i32
        %dma_start3A_134 = arith.constant 0 : i32
        %dma_start3A_135 = tpu.memref_slice %arg8[%dma_start3A_133, %dma_start3A_134] : memref<256x128xf32, #tpu.memory_space<vmem>> -> memref<128x128xf32, #tpu.memory_space<vmem>>
        %dma_start3A_136 = arith.constant 0 : i32
        %dma_start3A_137 = arith.constant 0 : i32
        %dma_start3A_138 = tpu.memref_slice %arg17[%dma_start3A_136, %dma_start3A_137] : memref<1024x128xf32, #tpu.memory_space<vmem_shared>> -> memref<1024x128xf32, #tpu.memory_space<vmem_shared>>
        tpu.enqueue_indirect_dma source(%dma_start3A_135 : memref<128x128xf32, #tpu.memory_space<vmem>>) target(%dma_start3A_138 : memref<1024x128xf32, #tpu.memory_space<vmem_shared>>) offsets(%arg13 : memref<128xi32, #tpu.memory_space<vmem>>) semaphore(%arg22 : memref<!tpu.dma_semaphore, #tpu.memory_space<semaphore_mem>>) {add = true}
        %get3A = arith.constant 0 : index
        %get3A_139 = tpu.vector_load %arg12[%get3A] {strides = array<i32>} : memref<128xi32, #tpu.memory_space<vmem>>, vector<16xi32>,
        tpu.vector_store_idx %arg16[%get3A_139], %broadcast_in_dim3A_23 {add = true} : memref<1024xf32, #tpu.memory_space<vmem>>[vector<16xi32>], vector<16xf32>,
        %get3A_140 = arith.constant 16 : index
        %get3A_141 = tpu.vector_load %arg12[%get3A_140] {strides = array<i32>} : memref<128xi32, #tpu.memory_space<vmem>>, vector<16xi32>,
        tpu.vector_store_idx %arg16[%get3A_141], %broadcast_in_dim3A_23 {add = true} : memref<1024xf32, #tpu.memory_space<vmem>>[vector<16xi32>], vector<16xf32>,
        %get3A_142 = arith.constant 32 : index
        %get3A_143 = tpu.vector_load %arg12[%get3A_142] {strides = array<i32>} : memref<128xi32, #tpu.memory_space<vmem>>, vector<16xi32>,
        tpu.vector_store_idx %arg16[%get3A_143], %broadcast_in_dim3A_23 {add = true} : memref<1024xf32, #tpu.memory_space<vmem>>[vector<16xi32>], vector<16xf32>,
        %get3A_144 = arith.constant 48 : index
        %get3A_145 = tpu.vector_load %arg12[%get3A_144] {strides = array<i32>} : memref<128xi32, #tpu.memory_space<vmem>>, vector<16xi32>,
        tpu.vector_store_idx %arg16[%get3A_145], %broadcast_in_dim3A_23 {add = true} : memref<1024xf32, #tpu.memory_space<vmem>>[vector<16xi32>], vector<16xf32>,
        %get3A_146 = arith.constant 64 : index
        %get3A_147 = tpu.vector_load %arg12[%get3A_146] {strides = array<i32>} : memref<128xi32, #tpu.memory_space<vmem>>, vector<16xi32>,
        tpu.vector_store_idx %arg16[%get3A_147], %broadcast_in_dim3A_23 {add = true} : memref<1024xf32, #tpu.memory_space<vmem>>[vector<16xi32>], vector<16xf32>,
        %get3A_148 = arith.constant 80 : index
        %get3A_149 = tpu.vector_load %arg12[%get3A_148] {strides = array<i32>} : memref<128xi32, #tpu.memory_space<vmem>>, vector<16xi32>,
        tpu.vector_store_idx %arg16[%get3A_149], %broadcast_in_dim3A_23 {add = true} : memref<1024xf32, #tpu.memory_space<vmem>>[vector<16xi32>], vector<16xf32>,
        %get3A_150 = arith.constant 96 : index
        %get3A_151 = tpu.vector_load %arg12[%get3A_150] {strides = array<i32>} : memref<128xi32, #tpu.memory_space<vmem>>, vector<16xi32>,
        tpu.vector_store_idx %arg16[%get3A_151], %broadcast_in_dim3A_23 {add = true} : memref<1024xf32, #tpu.memory_space<vmem>>[vector<16xi32>], vector<16xf32>,
        %get3A_152 = arith.constant 112 : index
        %get3A_153 = tpu.vector_load %arg12[%get3A_152] {strides = array<i32>} : memref<128xi32, #tpu.memory_space<vmem>>, vector<16xi32>,
        tpu.vector_store_idx %arg16[%get3A_153], %broadcast_in_dim3A_23 {add = true} : memref<1024xf32, #tpu.memory_space<vmem>>[vector<16xi32>], vector<16xf32>,
        %get3A_154 = arith.constant 0 : index
        %get3A_155 = tpu.vector_load %arg13[%get3A_154] {strides = array<i32>} : memref<128xi32, #tpu.memory_space<vmem>>, vector<16xi32>,
        tpu.vector_store_idx %arg16[%get3A_155], %broadcast_in_dim3A_23 {add = true} : memref<1024xf32, #tpu.memory_space<vmem>>[vector<16xi32>], vector<16xf32>,
        %get3A_156 = arith.constant 16 : index
        %get3A_157 = tpu.vector_load %arg13[%get3A_156] {strides = array<i32>} : memref<128xi32, #tpu.memory_space<vmem>>, vector<16xi32>,
        tpu.vector_store_idx %arg16[%get3A_157], %broadcast_in_dim3A_23 {add = true} : memref<1024xf32, #tpu.memory_space<vmem>>[vector<16xi32>], vector<16xf32>,
        %get3A_158 = arith.constant 32 : index
        %get3A_159 = tpu.vector_load %arg13[%get3A_158] {strides = array<i32>} : memref<128xi32, #tpu.memory_space<vmem>>, vector<16xi32>,
        tpu.vector_store_idx %arg16[%get3A_159], %broadcast_in_dim3A_23 {add = true} : memref<1024xf32, #tpu.memory_space<vmem>>[vector<16xi32>], vector<16xf32>,
        %get3A_160 = arith.constant 48 : index
        %get3A_161 = tpu.vector_load %arg13[%get3A_160] {strides = array<i32>} : memref<128xi32, #tpu.memory_space<vmem>>, vector<16xi32>,
        tpu.vector_store_idx %arg16[%get3A_161], %broadcast_in_dim3A_23 {add = true} : memref<1024xf32, #tpu.memory_space<vmem>>[vector<16xi32>], vector<16xf32>,
        %get3A_162 = arith.constant 64 : index
        %get3A_163 = tpu.vector_load %arg13[%get3A_162] {strides = array<i32>} : memref<128xi32, #tpu.memory_space<vmem>>, vector<16xi32>,
        tpu.vector_store_idx %arg16[%get3A_163], %broadcast_in_dim3A_23 {add = true} : memref<1024xf32, #tpu.memory_space<vmem>>[vector<16xi32>], vector<16xf32>,
        %get3A_164 = arith.constant 80 : index
        %get3A_165 = tpu.vector_load %arg13[%get3A_164] {strides = array<i32>} : memref<128xi32, #tpu.memory_space<vmem>>, vector<16xi32>,
        tpu.vector_store_idx %arg16[%get3A_165], %broadcast_in_dim3A_23 {add = true} : memref<1024xf32, #tpu.memory_space<vmem>>[vector<16xi32>], vector<16xf32>,
        %get3A_166 = arith.constant 96 : index
        %get3A_167 = tpu.vector_load %arg13[%get3A_166] {strides = array<i32>} : memref<128xi32, #tpu.memory_space<vmem>>, vector<16xi32>,
        tpu.vector_store_idx %arg16[%get3A_167], %broadcast_in_dim3A_23 {add = true} : memref<1024xf32, #tpu.memory_space<vmem>>[vector<16xi32>], vector<16xf32>,
        %get3A_168 = arith.constant 112 : index
        %get3A_169 = tpu.vector_load %arg13[%get3A_168] {strides = array<i32>} : memref<128xi32, #tpu.memory_space<vmem>>, vector<16xi32>,
        tpu.vector_store_idx %arg16[%get3A_169], %broadcast_in_dim3A_23 {add = true} : memref<1024xf32, #tpu.memory_space<vmem>>[vector<16xi32>], vector<16xf32>,
        %dma_wait3A_170 = arith.constant 0 : i32
        %dma_wait3A_171 = arith.constant 0 : i32
        %dma_wait3A_172 = tpu.memref_slice %arg7[%dma_wait3A_170, %dma_wait3A_171] : memref<256x128xf32, #tpu.memory_space<vmem>> -> memref<128x128xf32, #tpu.memory_space<vmem>>
        %dma_wait3A_173 = arith.constant 0 : i32
        %dma_wait3A_174 = arith.constant 0 : i32
        %dma_wait3A_175 = tpu.memref_slice %arg17[%dma_wait3A_173, %dma_wait3A_174] : memref<1024x128xf32, #tpu.memory_space<vmem_shared>> -> memref<1024x128xf32, #tpu.memory_space<vmem_shared>>
        tpu.wait_indirect_dma semaphore(%arg21 : memref<!tpu.dma_semaphore, #tpu.memory_space<semaphore_mem>>) src(%dma_wait3A_172 : memref<128x128xf32, #tpu.memory_space<vmem>>) dst(%dma_wait3A_175 : memref<1024x128xf32, #tpu.memory_space<vmem_shared>>)
        %dma_wait3A_176 = arith.constant 128 : i32
        %dma_wait3A_177 = arith.constant 0 : i32
        %dma_wait3A_178 = tpu.memref_slice %arg7[%dma_wait3A_176, %dma_wait3A_177] : memref<256x128xf32, #tpu.memory_space<vmem>> -> memref<128x128xf32, #tpu.memory_space<vmem>>
        %dma_wait3A_179 = arith.constant 0 : i32
        %dma_wait3A_180 = arith.constant 0 : i32
        %dma_wait3A_181 = tpu.memref_slice %arg17[%dma_wait3A_179, %dma_wait3A_180] : memref<1024x128xf32, #tpu.memory_space<vmem_shared>> -> memref<1024x128xf32, #tpu.memory_space<vmem_shared>>
        tpu.wait_indirect_dma semaphore(%arg21 : memref<!tpu.dma_semaphore, #tpu.memory_space<semaphore_mem>>) src(%dma_wait3A_178 : memref<128x128xf32, #tpu.memory_space<vmem>>) dst(%dma_wait3A_181 : memref<1024x128xf32, #tpu.memory_space<vmem_shared>>)
        %add3A_182 = arith.constant 2 : i32
        %add3A_183 = arith.addi %add3A_97, %add3A_182 : i32
        %lt3A_184 = arith.cmpi slt, %add3A_183, %add3A_13 : i32
        %convert_element_type3A_185 = arith.extui %lt3A_184 : i1 to i32
        %cond3A_186 = arith.constant 0 : i32
        %cond3A_187 = arith.cmpi ne, %convert_element_type3A_185, %cond3A_186 : i32
        scf.if %cond3A_187 {
          %mul3A_188 = arith.constant 256 : i32
          %mul3A_189 = arith.muli %add3A_183, %mul3A_188 : i32
          %dma_start3A_190 = arith.constant 0 : i32
          %dma_start3A_191 = tpu.memref_slice %arg2[%mul3A_189, %dma_start3A_190] : memref<320000x128xf32, #tpu.memory_space<hbm>> -> memref<256x128xf32, #tpu.memory_space<hbm>>
          %dma_start3A_192 = arith.constant 0 : i32
          %dma_start3A_193 = tpu.memref_slice %arg2[%mul3A_189, %dma_start3A_192] : memref<320000x128xf32, #tpu.memory_space<hbm>> -> memref<256x128xf32, #tpu.memory_space<hbm>>
          tpu.enqueue_dma source(%dma_start3A_193 : memref<256x128xf32, #tpu.memory_space<hbm>>) target(%arg7 : memref<256x128xf32, #tpu.memory_space<vmem>>) target_semaphore(%arg18 : memref<!tpu.dma_semaphore, #tpu.memory_space<semaphore_mem>>)
          %mul3A_194 = arith.constant 256 : i32
          %mul3A_195 = arith.muli %add3A_183, %mul3A_194 : i32
          %add3A_196 = arith.constant 0 : i32
          %add3A_197 = arith.addi %mul3A_195, %add3A_196 : i32
          %dma_start3A_198 = tpu.memref_slice %arg3[%add3A_197] : memref<320000xi32, #tpu.memory_space<hbm>> -> memref<128xi32, #tpu.memory_space<hbm>>
          %dma_start3A_199 = tpu.memref_slice %arg3[%add3A_197] : memref<320000xi32, #tpu.memory_space<hbm>> -> memref<128xi32, #tpu.memory_space<hbm>>
          tpu.enqueue_dma source(%dma_start3A_199 : memref<128xi32, #tpu.memory_space<hbm>>) target(%arg10 : memref<128xi32, #tpu.memory_space<vmem>>) target_semaphore(%arg18 : memref<!tpu.dma_semaphore, #tpu.memory_space<semaphore_mem>>)
          %mul3A_200 = arith.constant 256 : i32
          %mul3A_201 = arith.muli %add3A_183, %mul3A_200 : i32
          %add3A_202 = arith.constant 128 : i32
          %add3A_203 = arith.addi %mul3A_201, %add3A_202 : i32
          %dma_start3A_204 = tpu.memref_slice %arg3[%add3A_203] : memref<320000xi32, #tpu.memory_space<hbm>> -> memref<128xi32, #tpu.memory_space<hbm>>
          %dma_start3A_205 = tpu.memref_slice %arg3[%add3A_203] : memref<320000xi32, #tpu.memory_space<hbm>> -> memref<128xi32, #tpu.memory_space<hbm>>
          tpu.enqueue_dma source(%dma_start3A_205 : memref<128xi32, #tpu.memory_space<hbm>>) target(%arg11 : memref<128xi32, #tpu.memory_space<vmem>>) target_semaphore(%arg18 : memref<!tpu.dma_semaphore, #tpu.memory_space<semaphore_mem>>)
        } else {
        }
      } else {
      }
      %mul3A_102 = arith.constant 3 : i32
      %mul3A_103 = arith.muli %mul3A_102, %scan3A_83 : i32
      %add3A_104 = arith.addi %add3A_4, %mul3A_103 : i32
      %add3A_105 = arith.constant 2 : i32
      %add3A_106 = arith.addi %add3A_104, %add3A_105 : i32
      %lt3A_107 = arith.cmpi slt, %add3A_106, %add3A_13 : i32
      %convert_element_type3A_108 = arith.extui %lt3A_107 : i1 to i32
      %cond3A_109 = arith.constant 0 : i32
      %cond3A_110 = arith.cmpi ne, %convert_element_type3A_108, %cond3A_109 : i32
      scf.if %cond3A_110 {
        %mul3A_111 = arith.constant 256 : i32
        %mul3A_112 = arith.muli %add3A_106, %mul3A_111 : i32
        %dma_wait3A = arith.constant 0 : i32
        %dma_wait3A_113 = tpu.memref_slice %arg2[%mul3A_112, %dma_wait3A] : memref<320000x128xf32, #tpu.memory_space<hbm>> -> memref<256x128xf32, #tpu.memory_space<hbm>>
        %dma_wait3A_114 = arith.constant 0 : i32
        %dma_wait3A_115 = tpu.memref_slice %arg2[%mul3A_112, %dma_wait3A_114] : memref<320000x128xf32, #tpu.memory_space<hbm>> -> memref<256x128xf32, #tpu.memory_space<hbm>>
        tpu.wait_dma2 semaphore(%arg20 : memref<!tpu.dma_semaphore, #tpu.memory_space<semaphore_mem>>) src(%dma_wait3A_115 : memref<256x128xf32, #tpu.memory_space<hbm>>) dst(%arg9 : memref<256x128xf32, #tpu.memory_space<vmem>>)
        %mul3A_116 = arith.constant 256 : i32
        %mul3A_117 = arith.muli %add3A_106, %mul3A_116 : i32
        %add3A_118 = arith.constant 0 : i32
        %add3A_119 = arith.addi %mul3A_117, %add3A_118 : i32
        %dma_wait3A_120 = tpu.memref_slice %arg3[%add3A_119] : memref<320000xi32, #tpu.memory_space<hbm>> -> memref<128xi32, #tpu.memory_space<hbm>>
        %dma_wait3A_121 = tpu.memref_slice %arg3[%add3A_119] : memref<320000xi32, #tpu.memory_space<hbm>> -> memref<128xi32, #tpu.memory_space<hbm>>
        tpu.wait_dma2 semaphore(%arg20 : memref<!tpu.dma_semaphore, #tpu.memory_space<semaphore_mem>>) src(%dma_wait3A_121 : memref<128xi32, #tpu.memory_space<hbm>>) dst(%arg14 : memref<128xi32, #tpu.memory_space<vmem>>)
        %mul3A_122 = arith.constant 256 : i32
        %mul3A_123 = arith.muli %add3A_106, %mul3A_122 : i32
        %add3A_124 = arith.constant 128 : i32
        %add3A_125 = arith.addi %mul3A_123, %add3A_124 : i32
        %dma_wait3A_126 = tpu.memref_slice %arg3[%add3A_125] : memref<320000xi32, #tpu.memory_space<hbm>> -> memref<128xi32, #tpu.memory_space<hbm>>
        %dma_wait3A_127 = tpu.memref_slice %arg3[%add3A_125] : memref<320000xi32, #tpu.memory_space<hbm>> -> memref<128xi32, #tpu.memory_space<hbm>>
        tpu.wait_dma2 semaphore(%arg20 : memref<!tpu.dma_semaphore, #tpu.memory_space<semaphore_mem>>) src(%dma_wait3A_127 : memref<128xi32, #tpu.memory_space<hbm>>) dst(%arg15 : memref<128xi32, #tpu.memory_space<vmem>>)
        %dma_start3A = arith.constant 0 : i32
        %dma_start3A_128 = arith.constant 0 : i32
        %dma_start3A_129 = tpu.memref_slice %arg9[%dma_start3A, %dma_start3A_128] : memref<256x128xf32, #tpu.memory_space<vmem>> -> memref<128x128xf32, #tpu.memory_space<vmem>>
        %dma_start3A_130 = arith.constant 0 : i32
        %dma_start3A_131 = arith.constant 0 : i32
        %dma_start3A_132 = tpu.memref_slice %arg17[%dma_start3A_130, %dma_start3A_131] : memref<1024x128xf32, #tpu.memory_space<vmem_shared>> -> memref<1024x128xf32, #tpu.memory_space<vmem_shared>>
        tpu.enqueue_indirect_dma source(%dma_start3A_129 : memref<128x128xf32, #tpu.memory_space<vmem>>) target(%dma_start3A_132 : memref<1024x128xf32, #tpu.memory_space<vmem_shared>>) offsets(%arg14 : memref<128xi32, #tpu.memory_space<vmem>>) semaphore(%arg23 : memref<!tpu.dma_semaphore, #tpu.memory_space<semaphore_mem>>) {add = true}
        %dma_start3A_133 = arith.constant 128 : i32
        %dma_start3A_134 = arith.constant 0 : i32
        %dma_start3A_135 = tpu.memref_slice %arg9[%dma_start3A_133, %dma_start3A_134] : memref<256x128xf32, #tpu.memory_space<vmem>> -> memref<128x128xf32, #tpu.memory_space<vmem>>
        %dma_start3A_136 = arith.constant 0 : i32
        %dma_start3A_137 = arith.constant 0 : i32
        %dma_start3A_138 = tpu.memref_slice %arg17[%dma_start3A_136, %dma_start3A_137] : memref<1024x128xf32, #tpu.memory_space<vmem_shared>> -> memref<1024x128xf32, #tpu.memory_space<vmem_shared>>
        tpu.enqueue_indirect_dma source(%dma_start3A_135 : memref<128x128xf32, #tpu.memory_space<vmem>>) target(%dma_start3A_138 : memref<1024x128xf32, #tpu.memory_space<vmem_shared>>) offsets(%arg15 : memref<128xi32, #tpu.memory_space<vmem>>) semaphore(%arg23 : memref<!tpu.dma_semaphore, #tpu.memory_space<semaphore_mem>>) {add = true}
        %get3A = arith.constant 0 : index
        %get3A_139 = tpu.vector_load %arg14[%get3A] {strides = array<i32>} : memref<128xi32, #tpu.memory_space<vmem>>, vector<16xi32>,
        tpu.vector_store_idx %arg16[%get3A_139], %broadcast_in_dim3A_23 {add = true} : memref<1024xf32, #tpu.memory_space<vmem>>[vector<16xi32>], vector<16xf32>,
        %get3A_140 = arith.constant 16 : index
        %get3A_141 = tpu.vector_load %arg14[%get3A_140] {strides = array<i32>} : memref<128xi32, #tpu.memory_space<vmem>>, vector<16xi32>,
        tpu.vector_store_idx %arg16[%get3A_141], %broadcast_in_dim3A_23 {add = true} : memref<1024xf32, #tpu.memory_space<vmem>>[vector<16xi32>], vector<16xf32>,
        %get3A_142 = arith.constant 32 : index
        %get3A_143 = tpu.vector_load %arg14[%get3A_142] {strides = array<i32>} : memref<128xi32, #tpu.memory_space<vmem>>, vector<16xi32>,
        tpu.vector_store_idx %arg16[%get3A_143], %broadcast_in_dim3A_23 {add = true} : memref<1024xf32, #tpu.memory_space<vmem>>[vector<16xi32>], vector<16xf32>,
        %get3A_144 = arith.constant 48 : index
        %get3A_145 = tpu.vector_load %arg14[%get3A_144] {strides = array<i32>} : memref<128xi32, #tpu.memory_space<vmem>>, vector<16xi32>,
        tpu.vector_store_idx %arg16[%get3A_145], %broadcast_in_dim3A_23 {add = true} : memref<1024xf32, #tpu.memory_space<vmem>>[vector<16xi32>], vector<16xf32>,
        %get3A_146 = arith.constant 64 : index
        %get3A_147 = tpu.vector_load %arg14[%get3A_146] {strides = array<i32>} : memref<128xi32, #tpu.memory_space<vmem>>, vector<16xi32>,
        tpu.vector_store_idx %arg16[%get3A_147], %broadcast_in_dim3A_23 {add = true} : memref<1024xf32, #tpu.memory_space<vmem>>[vector<16xi32>], vector<16xf32>,
        %get3A_148 = arith.constant 80 : index
        %get3A_149 = tpu.vector_load %arg14[%get3A_148] {strides = array<i32>} : memref<128xi32, #tpu.memory_space<vmem>>, vector<16xi32>,
        tpu.vector_store_idx %arg16[%get3A_149], %broadcast_in_dim3A_23 {add = true} : memref<1024xf32, #tpu.memory_space<vmem>>[vector<16xi32>], vector<16xf32>,
        %get3A_150 = arith.constant 96 : index
        %get3A_151 = tpu.vector_load %arg14[%get3A_150] {strides = array<i32>} : memref<128xi32, #tpu.memory_space<vmem>>, vector<16xi32>,
        tpu.vector_store_idx %arg16[%get3A_151], %broadcast_in_dim3A_23 {add = true} : memref<1024xf32, #tpu.memory_space<vmem>>[vector<16xi32>], vector<16xf32>,
        %get3A_152 = arith.constant 112 : index
        %get3A_153 = tpu.vector_load %arg14[%get3A_152] {strides = array<i32>} : memref<128xi32, #tpu.memory_space<vmem>>, vector<16xi32>,
        tpu.vector_store_idx %arg16[%get3A_153], %broadcast_in_dim3A_23 {add = true} : memref<1024xf32, #tpu.memory_space<vmem>>[vector<16xi32>], vector<16xf32>,
        %get3A_154 = arith.constant 0 : index
        %get3A_155 = tpu.vector_load %arg15[%get3A_154] {strides = array<i32>} : memref<128xi32, #tpu.memory_space<vmem>>, vector<16xi32>,
        tpu.vector_store_idx %arg16[%get3A_155], %broadcast_in_dim3A_23 {add = true} : memref<1024xf32, #tpu.memory_space<vmem>>[vector<16xi32>], vector<16xf32>,
        %get3A_156 = arith.constant 16 : index
        %get3A_157 = tpu.vector_load %arg15[%get3A_156] {strides = array<i32>} : memref<128xi32, #tpu.memory_space<vmem>>, vector<16xi32>,
        tpu.vector_store_idx %arg16[%get3A_157], %broadcast_in_dim3A_23 {add = true} : memref<1024xf32, #tpu.memory_space<vmem>>[vector<16xi32>], vector<16xf32>,
        %get3A_158 = arith.constant 32 : index
        %get3A_159 = tpu.vector_load %arg15[%get3A_158] {strides = array<i32>} : memref<128xi32, #tpu.memory_space<vmem>>, vector<16xi32>,
        tpu.vector_store_idx %arg16[%get3A_159], %broadcast_in_dim3A_23 {add = true} : memref<1024xf32, #tpu.memory_space<vmem>>[vector<16xi32>], vector<16xf32>,
        %get3A_160 = arith.constant 48 : index
        %get3A_161 = tpu.vector_load %arg15[%get3A_160] {strides = array<i32>} : memref<128xi32, #tpu.memory_space<vmem>>, vector<16xi32>,
        tpu.vector_store_idx %arg16[%get3A_161], %broadcast_in_dim3A_23 {add = true} : memref<1024xf32, #tpu.memory_space<vmem>>[vector<16xi32>], vector<16xf32>,
        %get3A_162 = arith.constant 64 : index
        %get3A_163 = tpu.vector_load %arg15[%get3A_162] {strides = array<i32>} : memref<128xi32, #tpu.memory_space<vmem>>, vector<16xi32>,
        tpu.vector_store_idx %arg16[%get3A_163], %broadcast_in_dim3A_23 {add = true} : memref<1024xf32, #tpu.memory_space<vmem>>[vector<16xi32>], vector<16xf32>,
        %get3A_164 = arith.constant 80 : index
        %get3A_165 = tpu.vector_load %arg15[%get3A_164] {strides = array<i32>} : memref<128xi32, #tpu.memory_space<vmem>>, vector<16xi32>,
        tpu.vector_store_idx %arg16[%get3A_165], %broadcast_in_dim3A_23 {add = true} : memref<1024xf32, #tpu.memory_space<vmem>>[vector<16xi32>], vector<16xf32>,
        %get3A_166 = arith.constant 96 : index
        %get3A_167 = tpu.vector_load %arg15[%get3A_166] {strides = array<i32>} : memref<128xi32, #tpu.memory_space<vmem>>, vector<16xi32>,
        tpu.vector_store_idx %arg16[%get3A_167], %broadcast_in_dim3A_23 {add = true} : memref<1024xf32, #tpu.memory_space<vmem>>[vector<16xi32>], vector<16xf32>,
        %get3A_168 = arith.constant 112 : index
        %get3A_169 = tpu.vector_load %arg15[%get3A_168] {strides = array<i32>} : memref<128xi32, #tpu.memory_space<vmem>>, vector<16xi32>,
        tpu.vector_store_idx %arg16[%get3A_169], %broadcast_in_dim3A_23 {add = true} : memref<1024xf32, #tpu.memory_space<vmem>>[vector<16xi32>], vector<16xf32>,
        %dma_wait3A_170 = arith.constant 0 : i32
        %dma_wait3A_171 = arith.constant 0 : i32
        %dma_wait3A_172 = tpu.memref_slice %arg8[%dma_wait3A_170, %dma_wait3A_171] : memref<256x128xf32, #tpu.memory_space<vmem>> -> memref<128x128xf32, #tpu.memory_space<vmem>>
        %dma_wait3A_173 = arith.constant 0 : i32
        %dma_wait3A_174 = arith.constant 0 : i32
        %dma_wait3A_175 = tpu.memref_slice %arg17[%dma_wait3A_173, %dma_wait3A_174] : memref<1024x128xf32, #tpu.memory_space<vmem_shared>> -> memref<1024x128xf32, #tpu.memory_space<vmem_shared>>
        tpu.wait_indirect_dma semaphore(%arg22 : memref<!tpu.dma_semaphore, #tpu.memory_space<semaphore_mem>>) src(%dma_wait3A_172 : memref<128x128xf32, #tpu.memory_space<vmem>>) dst(%dma_wait3A_175 : memref<1024x128xf32, #tpu.memory_space<vmem_shared>>)
        %dma_wait3A_176 = arith.constant 128 : i32
        %dma_wait3A_177 = arith.constant 0 : i32
        %dma_wait3A_178 = tpu.memref_slice %arg8[%dma_wait3A_176, %dma_wait3A_177] : memref<256x128xf32, #tpu.memory_space<vmem>> -> memref<128x128xf32, #tpu.memory_space<vmem>>
        %dma_wait3A_179 = arith.constant 0 : i32
        %dma_wait3A_180 = arith.constant 0 : i32
        %dma_wait3A_181 = tpu.memref_slice %arg17[%dma_wait3A_179, %dma_wait3A_180] : memref<1024x128xf32, #tpu.memory_space<vmem_shared>> -> memref<1024x128xf32, #tpu.memory_space<vmem_shared>>
        tpu.wait_indirect_dma semaphore(%arg22 : memref<!tpu.dma_semaphore, #tpu.memory_space<semaphore_mem>>) src(%dma_wait3A_178 : memref<128x128xf32, #tpu.memory_space<vmem>>) dst(%dma_wait3A_181 : memref<1024x128xf32, #tpu.memory_space<vmem_shared>>)
        %add3A_182 = arith.constant 2 : i32
        %add3A_183 = arith.addi %add3A_106, %add3A_182 : i32
        %lt3A_184 = arith.cmpi slt, %add3A_183, %add3A_13 : i32
        %convert_element_type3A_185 = arith.extui %lt3A_184 : i1 to i32
        %cond3A_186 = arith.constant 0 : i32
        %cond3A_187 = arith.cmpi ne, %convert_element_type3A_185, %cond3A_186 : i32
        scf.if %cond3A_187 {
          %mul3A_188 = arith.constant 256 : i32
          %mul3A_189 = arith.muli %add3A_183, %mul3A_188 : i32
          %dma_start3A_190 = arith.constant 0 : i32
          %dma_start3A_191 = tpu.memref_slice %arg2[%mul3A_189, %dma_start3A_190] : memref<320000x128xf32, #tpu.memory_space<hbm>> -> memref<256x128xf32, #tpu.memory_space<hbm>>
          %dma_start3A_192 = arith.constant 0 : i32
          %dma_start3A_193 = tpu.memref_slice %arg2[%mul3A_189, %dma_start3A_192] : memref<320000x128xf32, #tpu.memory_space<hbm>> -> memref<256x128xf32, #tpu.memory_space<hbm>>
          tpu.enqueue_dma source(%dma_start3A_193 : memref<256x128xf32, #tpu.memory_space<hbm>>) target(%arg8 : memref<256x128xf32, #tpu.memory_space<vmem>>) target_semaphore(%arg19 : memref<!tpu.dma_semaphore, #tpu.memory_space<semaphore_mem>>)
          %mul3A_194 = arith.constant 256 : i32
          %mul3A_195 = arith.muli %add3A_183, %mul3A_194 : i32
          %add3A_196 = arith.constant 0 : i32
          %add3A_197 = arith.addi %mul3A_195, %add3A_196 : i32
          %dma_start3A_198 = tpu.memref_slice %arg3[%add3A_197] : memref<320000xi32, #tpu.memory_space<hbm>> -> memref<128xi32, #tpu.memory_space<hbm>>
          %dma_start3A_199 = tpu.memref_slice %arg3[%add3A_197] : memref<320000xi32, #tpu.memory_space<hbm>> -> memref<128xi32, #tpu.memory_space<hbm>>
          tpu.enqueue_dma source(%dma_start3A_199 : memref<128xi32, #tpu.memory_space<hbm>>) target(%arg12 : memref<128xi32, #tpu.memory_space<vmem>>) target_semaphore(%arg19 : memref<!tpu.dma_semaphore, #tpu.memory_space<semaphore_mem>>)
          %mul3A_200 = arith.constant 256 : i32
          %mul3A_201 = arith.muli %add3A_183, %mul3A_200 : i32
          %add3A_202 = arith.constant 128 : i32
          %add3A_203 = arith.addi %mul3A_201, %add3A_202 : i32
          %dma_start3A_204 = tpu.memref_slice %arg3[%add3A_203] : memref<320000xi32, #tpu.memory_space<hbm>> -> memref<128xi32, #tpu.memory_space<hbm>>
          %dma_start3A_205 = tpu.memref_slice %arg3[%add3A_203] : memref<320000xi32, #tpu.memory_space<hbm>> -> memref<128xi32, #tpu.memory_space<hbm>>
          tpu.enqueue_dma source(%dma_start3A_205 : memref<128xi32, #tpu.memory_space<hbm>>) target(%arg13 : memref<128xi32, #tpu.memory_space<vmem>>) target_semaphore(%arg19 : memref<!tpu.dma_semaphore, #tpu.memory_space<semaphore_mem>>)
        } else {
        }
      } else {
      }
    }
    %scan3A_56 = arith.constant 13 : i32
    %sub3A_57 = arith.constant 1 : i32
    %sub3A_58 = arith.subi %sub3A, %sub3A_57 : i32
    %rem3A = arith.constant 3 : i32
    %rem3A_59 = arith.remsi %sub3A_58, %rem3A : i32
    %eq3A = arith.constant 0 : i32
    %eq3A_60 = arith.cmpi eq, %rem3A_59, %eq3A : i32
    %convert_element_type3A_61 = arith.extui %eq3A_60 : i1 to i32
    %cond3A_62 = arith.constant 0 : i32
    %cond3A_63 = arith.cmpi ne, %convert_element_type3A_61, %cond3A_62 : i32
    scf.if %cond3A_63 {
      %dma_wait3A = arith.constant 0 : i32
      %dma_wait3A_83 = arith.constant 0 : i32
      %dma_wait3A_84 = tpu.memref_slice %arg7[%dma_wait3A, %dma_wait3A_83] : memref<256x128xf32, #tpu.memory_space<vmem>> -> memref<128x128xf32, #tpu.memory_space<vmem>>
      %dma_wait3A_85 = arith.constant 0 : i32
      %dma_wait3A_86 = arith.constant 0 : i32
      %dma_wait3A_87 = tpu.memref_slice %arg17[%dma_wait3A_85, %dma_wait3A_86] : memref<1024x128xf32, #tpu.memory_space<vmem_shared>> -> memref<1024x128xf32, #tpu.memory_space<vmem_shared>>
      tpu.wait_indirect_dma semaphore(%arg21 : memref<!tpu.dma_semaphore, #tpu.memory_space<semaphore_mem>>) src(%dma_wait3A_84 : memref<128x128xf32, #tpu.memory_space<vmem>>) dst(%dma_wait3A_87 : memref<1024x128xf32, #tpu.memory_space<vmem_shared>>)
      %dma_wait3A_88 = arith.constant 128 : i32
      %dma_wait3A_89 = arith.constant 0 : i32
      %dma_wait3A_90 = tpu.memref_slice %arg7[%dma_wait3A_88, %dma_wait3A_89] : memref<256x128xf32, #tpu.memory_space<vmem>> -> memref<128x128xf32, #tpu.memory_space<vmem>>
      %dma_wait3A_91 = arith.constant 0 : i32
      %dma_wait3A_92 = arith.constant 0 : i32
      %dma_wait3A_93 = tpu.memref_slice %arg17[%dma_wait3A_91, %dma_wait3A_92] : memref<1024x128xf32, #tpu.memory_space<vmem_shared>> -> memref<1024x128xf32, #tpu.memory_space<vmem_shared>>
      tpu.wait_indirect_dma semaphore(%arg21 : memref<!tpu.dma_semaphore, #tpu.memory_space<semaphore_mem>>) src(%dma_wait3A_90 : memref<128x128xf32, #tpu.memory_space<vmem>>) dst(%dma_wait3A_93 : memref<1024x128xf32, #tpu.memory_space<vmem_shared>>)
    } else {
    }
    %sub3A_64 = arith.constant 1 : i32
    %sub3A_65 = arith.subi %sub3A, %sub3A_64 : i32
    %rem3A_66 = arith.constant 3 : i32
    %rem3A_67 = arith.remsi %sub3A_65, %rem3A_66 : i32
    %eq3A_68 = arith.constant 1 : i32
    %eq3A_69 = arith.cmpi eq, %rem3A_67, %eq3A_68 : i32
    %convert_element_type3A_70 = arith.extui %eq3A_69 : i1 to i32
    %cond3A_71 = arith.constant 0 : i32
    %cond3A_72 = arith.cmpi ne, %convert_element_type3A_70, %cond3A_71 : i32
    scf.if %cond3A_72 {
      %dma_wait3A = arith.constant 0 : i32
      %dma_wait3A_83 = arith.constant 0 : i32
      %dma_wait3A_84 = tpu.memref_slice %arg8[%dma_wait3A, %dma_wait3A_83] : memref<256x128xf32, #tpu.memory_space<vmem>> -> memref<128x128xf32, #tpu.memory_space<vmem>>
      %dma_wait3A_85 = arith.constant 0 : i32
      %dma_wait3A_86 = arith.constant 0 : i32
      %dma_wait3A_87 = tpu.memref_slice %arg17[%dma_wait3A_85, %dma_wait3A_86] : memref<1024x128xf32, #tpu.memory_space<vmem_shared>> -> memref<1024x128xf32, #tpu.memory_space<vmem_shared>>
      tpu.wait_indirect_dma semaphore(%arg22 : memref<!tpu.dma_semaphore, #tpu.memory_space<semaphore_mem>>) src(%dma_wait3A_84 : memref<128x128xf32, #tpu.memory_space<vmem>>) dst(%dma_wait3A_87 : memref<1024x128xf32, #tpu.memory_space<vmem_shared>>)
      %dma_wait3A_88 = arith.constant 128 : i32
      %dma_wait3A_89 = arith.constant 0 : i32
      %dma_wait3A_90 = tpu.memref_slice %arg8[%dma_wait3A_88, %dma_wait3A_89] : memref<256x128xf32, #tpu.memory_space<vmem>> -> memref<128x128xf32, #tpu.memory_space<vmem>>
      %dma_wait3A_91 = arith.constant 0 : i32
      %dma_wait3A_92 = arith.constant 0 : i32
      %dma_wait3A_93 = tpu.memref_slice %arg17[%dma_wait3A_91, %dma_wait3A_92] : memref<1024x128xf32, #tpu.memory_space<vmem_shared>> -> memref<1024x128xf32, #tpu.memory_space<vmem_shared>>
      tpu.wait_indirect_dma semaphore(%arg22 : memref<!tpu.dma_semaphore, #tpu.memory_space<semaphore_mem>>) src(%dma_wait3A_90 : memref<128x128xf32, #tpu.memory_space<vmem>>) dst(%dma_wait3A_93 : memref<1024x128xf32, #tpu.memory_space<vmem_shared>>)
    } else {
    }
    %sub3A_73 = arith.constant 1 : i32
    %sub3A_74 = arith.subi %sub3A, %sub3A_73 : i32
    %rem3A_75 = arith.constant 3 : i32
    %rem3A_76 = arith.remsi %sub3A_74, %rem3A_75 : i32
    %eq3A_77 = arith.constant 2 : i32
    %eq3A_78 = arith.cmpi eq, %rem3A_76, %eq3A_77 : i32
    %convert_element_type3A_79 = arith.extui %eq3A_78 : i1 to i32
    %cond3A_80 = arith.constant 0 : i32
    %cond3A_81 = arith.cmpi ne, %convert_element_type3A_79, %cond3A_80 : i32
    scf.if %cond3A_81 {
      %dma_wait3A = arith.constant 0 : i32
      %dma_wait3A_83 = arith.constant 0 : i32
      %dma_wait3A_84 = tpu.memref_slice %arg9[%dma_wait3A, %dma_wait3A_83] : memref<256x128xf32, #tpu.memory_space<vmem>> -> memref<128x128xf32, #tpu.memory_space<vmem>>
      %dma_wait3A_85 = arith.constant 0 : i32
      %dma_wait3A_86 = arith.constant 0 : i32
      %dma_wait3A_87 = tpu.memref_slice %arg17[%dma_wait3A_85, %dma_wait3A_86] : memref<1024x128xf32, #tpu.memory_space<vmem_shared>> -> memref<1024x128xf32, #tpu.memory_space<vmem_shared>>
      tpu.wait_indirect_dma semaphore(%arg23 : memref<!tpu.dma_semaphore, #tpu.memory_space<semaphore_mem>>) src(%dma_wait3A_84 : memref<128x128xf32, #tpu.memory_space<vmem>>) dst(%dma_wait3A_87 : memref<1024x128xf32, #tpu.memory_space<vmem_shared>>)
      %dma_wait3A_88 = arith.constant 128 : i32
      %dma_wait3A_89 = arith.constant 0 : i32
      %dma_wait3A_90 = tpu.memref_slice %arg9[%dma_wait3A_88, %dma_wait3A_89] : memref<256x128xf32, #tpu.memory_space<vmem>> -> memref<128x128xf32, #tpu.memory_space<vmem>>
      %dma_wait3A_91 = arith.constant 0 : i32
      %dma_wait3A_92 = arith.constant 0 : i32
      %dma_wait3A_93 = tpu.memref_slice %arg17[%dma_wait3A_91, %dma_wait3A_92] : memref<1024x128xf32, #tpu.memory_space<vmem_shared>> -> memref<1024x128xf32, #tpu.memory_space<vmem_shared>>
      tpu.wait_indirect_dma semaphore(%arg23 : memref<!tpu.dma_semaphore, #tpu.memory_space<semaphore_mem>>) src(%dma_wait3A_90 : memref<128x128xf32, #tpu.memory_space<vmem>>) dst(%dma_wait3A_93 : memref<1024x128xf32, #tpu.memory_space<vmem_shared>>)
    } else {
    }
    %barrier3A_82 = arith.constant 0 : index
    tpu.barrier barrier_id(%barrier3A_82)
    "tpu.region"() ({
      %run_scoped3A = tpu.sem_alloc : memref<!tpu.dma_semaphore, #tpu.memory_space<semaphore_mem>>
      %dma_start3A = arith.constant 0 : i32
      %dma_start3A_83 = tpu.memref_slice %arg5[%arg0, %mul3A_15, %dma_start3A] : memref<2x1024x128xf32, #tpu.memory_space<hbm>> -> memref<1x64x128xf32, #tpu.memory_space<hbm>>
      %dma_start3A_84 = tpu.memref_squeeze %dma_start3A_83 : memref<1x64x128xf32, #tpu.memory_space<hbm>> -> memref<64x128xf32, #tpu.memory_space<hbm>>
      %dma_start3A_85 = arith.constant 0 : i32
      %dma_start3A_86 = tpu.memref_slice %arg17[%mul3A_15, %dma_start3A_85] : memref<1024x128xf32, #tpu.memory_space<vmem_shared>> -> memref<64x128xf32, #tpu.memory_space<vmem_shared>>
      tpu.enqueue_dma source(%dma_start3A_86 : memref<64x128xf32, #tpu.memory_space<vmem_shared>>) target(%dma_start3A_84 : memref<64x128xf32, #tpu.memory_space<hbm>>) target_semaphore(%run_scoped3A : memref<!tpu.dma_semaphore, #tpu.memory_space<semaphore_mem>>)
      %dma_wait3A = arith.constant 0 : i32
      %dma_wait3A_87 = tpu.memref_slice %arg5[%arg0, %mul3A_15, %dma_wait3A] : memref<2x1024x128xf32, #tpu.memory_space<hbm>> -> memref<1x64x128xf32, #tpu.memory_space<hbm>>
      %dma_wait3A_88 = tpu.memref_squeeze %dma_wait3A_87 : memref<1x64x128xf32, #tpu.memory_space<hbm>> -> memref<64x128xf32, #tpu.memory_space<hbm>>
      %dma_wait3A_89 = arith.constant 0 : i32
      %dma_wait3A_90 = tpu.memref_slice %arg17[%mul3A_15, %dma_wait3A_89] : memref<1024x128xf32, #tpu.memory_space<vmem_shared>> -> memref<64x128xf32, #tpu.memory_space<vmem_shared>>
      tpu.wait_dma2 semaphore(%run_scoped3A : memref<!tpu.dma_semaphore, #tpu.memory_space<semaphore_mem>>) src(%dma_wait3A_90 : memref<64x128xf32, #tpu.memory_space<vmem_shared>>) dst(%dma_wait3A_88 : memref<64x128xf32, #tpu.memory_space<hbm>>)
      tpu.yield
    }) : () -> ()
    "tpu.region"() ({
      %run_scoped3A = tpu.sem_alloc : memref<!tpu.dma_semaphore, #tpu.memory_space<semaphore_mem>>
      %dma_start3A = arith.constant 0 : i32
      %dma_start3A_83 = tpu.memref_slice %arg6[%add3A, %dma_start3A] : memref<32x1024xf32, #tpu.memory_space<hbm>> -> memref<1x1024xf32, #tpu.memory_space<hbm>>
      %dma_start3A_84 = tpu.memref_squeeze %dma_start3A_83 : memref<1x1024xf32, #tpu.memory_space<hbm>> -> memref<1024xf32, #tpu.memory_space<hbm>>
      %dma_start3A_85 = arith.constant 0 : i32
      %dma_start3A_86 = tpu.memref_slice %arg6[%add3A, %dma_start3A_85] : memref<32x1024xf32, #tpu.memory_space<hbm>> -> memref<1x1024xf32, #tpu.memory_space<hbm>>
      %dma_start3A_87 = tpu.memref_squeeze %dma_start3A_86 : memref<1x1024xf32, #tpu.memory_space<hbm>> -> memref<1024xf32, #tpu.memory_space<hbm>>
      tpu.enqueue_dma source(%arg16 : memref<1024xf32, #tpu.memory_space<vmem>>) target(%dma_start3A_87 : memref<1024xf32, #tpu.memory_space<hbm>>) target_semaphore(%run_scoped3A : memref<!tpu.dma_semaphore, #tpu.memory_space<semaphore_mem>>)
      %dma_wait3A = arith.constant 0 : i32
      %dma_wait3A_88 = tpu.memref_slice %arg6[%add3A, %dma_wait3A] : memref<32x1024xf32, #tpu.memory_space<hbm>> -> memref<1x1024xf32, #tpu.memory_space<hbm>>
      %dma_wait3A_89 = tpu.memref_squeeze %dma_wait3A_88 : memref<1x1024xf32, #tpu.memory_space<hbm>> -> memref<1024xf32, #tpu.memory_space<hbm>>
      %dma_wait3A_90 = arith.constant 0 : i32
      %dma_wait3A_91 = tpu.memref_slice %arg6[%add3A, %dma_wait3A_90] : memref<32x1024xf32, #tpu.memory_space<hbm>> -> memref<1x1024xf32, #tpu.memory_space<hbm>>
      %dma_wait3A_92 = tpu.memref_squeeze %dma_wait3A_91 : memref<1x1024xf32, #tpu.memory_space<hbm>> -> memref<1024xf32, #tpu.memory_space<hbm>>
      tpu.wait_dma2 semaphore(%run_scoped3A : memref<!tpu.dma_semaphore, #tpu.memory_space<semaphore_mem>>) src(%arg16 : memref<1024xf32, #tpu.memory_space<vmem>>) dst(%dma_wait3A_92 : memref<1024xf32, #tpu.memory_space<hbm>>)
      tpu.yield
    }) : () -> ()
    return
  }
}

module attributes {stable_mosaic.version = 14 : i64} {
  func.func @_combine_body(%arg0: memref<2x1024x128xf32, #tpu.memory_space<vmem>>, %arg1: memref<32x1024xf32, #tpu.memory_space<vmem>>, %arg2: memref<1000x128xf32, #tpu.memory_space<vmem>>) attributes {dimension_semantics = [], scalar_prefetch = 0 : i64, scratch_operands = 0 : i64, tpu.core_type = #tpu.core_type<tc>} {
    %get3A = arith.constant 0 : index
    %get3A_0 = arith.constant 0 : index
    %get3A_1 = arith.constant 0 : index
    %get3A_2 = vector.load %arg0[%get3A, %get3A_0, %get3A_1] : memref<2x1024x128xf32, #tpu.memory_space<vmem>>, vector<1x1024x128xf32>
    %get3A_3 = vector.shape_cast %get3A_2 : vector<1x1024x128xf32> to vector<1024x128xf32>
    %get3A_4 = arith.constant 1 : index
    %get3A_5 = arith.constant 0 : index
    %get3A_6 = arith.constant 0 : index
    %get3A_7 = vector.load %arg0[%get3A_4, %get3A_5, %get3A_6] : memref<2x1024x128xf32, #tpu.memory_space<vmem>>, vector<1x1024x128xf32>
    %get3A_8 = vector.shape_cast %get3A_7 : vector<1x1024x128xf32> to vector<1024x128xf32>
    %add3A = arith.addf %get3A_3, %get3A_8 : vector<1024x128xf32>
    %get3A_9 = arith.constant 0 : index
    %get3A_10 = arith.constant 0 : index
    %get3A_11 = vector.load %arg1[%get3A_9, %get3A_10] : memref<32x1024xf32, #tpu.memory_space<vmem>>, vector<32x1024xf32>
    %reduce_sum3A = arith.constant dense<0.000000e+00> : vector<1024xf32>
    %reduce_sum3A_12 = vector.multi_reduction <add>, %get3A_11, %reduce_sum3A [0] : vector<32x1024xf32> to vector<1024xf32>
    %broadcast_in_dim3A = vector.shape_cast %reduce_sum3A_12 : vector<1024xf32> to vector<1024x1xf32>
    %max3A = arith.constant 1.000000e+00 : f32
    %max3A_13 = vector.broadcast %max3A : f32 to vector<1024x1xf32>
    %max3A_14 = arith.maximumf %broadcast_in_dim3A, %max3A_13 : vector<1024x1xf32>
    %div3A = vector.broadcast %max3A_14 : vector<1024x1xf32> to vector<1024x128xf32>
    %div3A_15 = arith.divf %add3A, %div3A : vector<1024x128xf32>
    %slice3A = vector.extract_strided_slice %div3A_15 {offsets = [0, 0], sizes = [1000, 128], strides = [1, 1]} : vector<1024x128xf32> to vector<1000x128xf32>
    %swap3A = arith.constant 0 : index
    %swap3A_16 = arith.constant 0 : index
    %swap3A_17 = vector.load %arg2[%swap3A, %swap3A_16] : memref<1000x128xf32, #tpu.memory_space<vmem>>, vector<1000x128xf32>
    tpu.vector_store %arg2[%swap3A, %swap3A_16], %slice3A {strides = array<i32>} : memref<1000x128xf32, #tpu.memory_space<vmem>>, vector<1000x128xf32>,
    return
  }
}

</mosaic_0001>

<sc_bundles>
// kernel: kernel.4.cloned.1.call-start
scs
__scs_entry_jumppad:
0x0: {  	(pc) =	sbr.rel $0x88, $3  }
0x1: {  	(tag) =	ssettag $0x0;
	lr =	simm.s32 $0x1  }
0x2: {  	[smem:$0x3F9F] =	sst lr;
	_ =	strace $0xD0000000  }
0x3: {  	_ = 	snop  }
0x4: {  	_ = 	snop  }
0x5: {  	_ = 	snop  }
0x6: {  	_ = 	snop  }
0x7: {  	_ = 	snop  }
__scs_overlays_trampoline_lowered:
0x8: {  	[smem:$0x3FAE] =	sst s0  }
0x9: {  	[smem:$0x3FAF] =	sst s1  }
0xa: {  	[smem:$0x3FB0] =	sst s2  }
0xb: {  	[smem:$0x3FB1] =	sst s3  }
0xc: {  	[smem:$0x3FB2] =	sst s4  }
0xd: {  	[smem:$0x3FB3] =	sst s5  }
0xe: {  	[smem:$0x3FB4] =	sst s6  }
0xf: {  	[smem:$0x3FB5] =	sst s7  }
0x10: {  	[smem:$0x3FB6] =	sst s8  }
0x11: {  	[smem:$0x3FB7] =	sst s9;
	s0 =	simm.s32 @!p0 $0x0  }
0x12: {  	s1 =	sld [smem:$0x3F9D];
	s0 =	simm.s32 @p0 $0x1  }
0x13: {  	[smem:$0x3FB8] =	sst s0;
	s0 =	simm.s32 @!p1 $0x0  }
0x14: {  	s2 =	sld [smem:$0x3F9C];
	s0 =	simm.s32 @p1 $0x1  }
0x15: {  	[smem:$0x3FB9] =	sst s0;
	s0 =	simm.s32 @!p2 $0x0  }
0x16: {  	s3 =	sld [smem:$0x3FDB];
	s0 =	simm.s32 @p2 $0x1  }
0x17: {  	s4 =	simm.s32 $0x1BF5;
	[smem:$0x3FBB] =	sst s0  }
0x18: {  	s0 =	sld [smem:$0x3F9E];
	_ =	swait.ge [sflag:s4], $0x0  }
0x19: {  	s7 =	sld [smem:$0x3F9F]  }
0x1a: {  	s8 =	sadd.s32 $0xFFFFE003, lr  }
0x1b: {  	s9 =	sadd.s32 $0xFFFFFEF7, lr;
	s5 =	simm.s32 $0xFFFFFFFF;
	p2 =	slt.u32 s8, $0xFFFFF086  }
0x1c: {  	p1 =	slt.u32 s9, $0xF7A;
	s5 =	simm.s32 @!p2 $0x0  }
0x1d: {  	s5 =	simm.s32 @p1 $0x1;
	p0 =	seq.s32 s7, s2  }
0x1e: {  	s7 =	smul.u32 @!p0 $0xF7A, s2;
	p2 =	seq.s32 @!p0 s5, $0x0  }
0x1f: {  	s9 =	smul.u32 $0xF7A, s1;
	s8 =	simm.s32 @!p0 $0x1BF5;
	p2 =	por !p2, p0  }
0x20: {  	[sflag:s8] =	ssyncset.s32 @!p0 $0xFFFFF086;
	s6 =	sadd.s32 @!p0 s3, s7;
	s7 =	simm.s32 @!p0 $0x108  }
0x21: {  	s3 =	sadd.s32 s3, s9;
	s6 =	sadd.s32 @!p0 $0x88, s6;
	s7 =	simm.s32 @p2 $0x1082  }
0x22: {  	[simem:s7], [sflag:s8] =	dma.local @!p0 [hbm:s6], $0xF7A  }
0x23: {  	s9 =	sor.u32 $0xD0000000, s2;
	s6 =	simm.s32 $0x108;
	_ =	swait.ge @!p0 [sflag:s8], $0x0  }
0x24: {  	s3 =	sadd.s32 $0x88, s3;
	s6 =	simm.s32 @!p1 $0x1082;
	[sflag:s4] =	ssyncset.s32 $0xFFFFF086  }
0x25: {  	[simem:s6], [sflag:s4] =	dma.local [hbm:s3], $0xF7A  }
0x26: {  	[smem:$0x3F9F] =	sst s1;
	(tag) =	ssettag s2;
	_ =	strace s9  }
0x27: {  	s1 =	sld [smem:$0x3FAF]  }
0x28: {  	s2 =	sld [smem:$0x3FB0]  }
0x29: {  	s4 =	sld [smem:$0x3FB2]  }
0x2a: {  	p0 =	seq.s32 s5, $0x0;
	s5 =	sld [smem:$0x3FB3]  }
0x2b: {  	s6 =	sld [smem:$0x3FB4]  }
0x2c: {  	s7 =	sld [smem:$0x3FB5]  }
0x2d: {  	s3 =	simm.s32 $0x108;
	s8 =	sld [smem:$0x3FB6]  }
0x2e: {  	s3 =	simm.s32 @!p0 $0x1082;
	s9 =	sld [smem:$0x3FB7]  }
0x2f: {  	lr =	sadd.s32 s0, s3;
	s0 =	sld [smem:$0x3FAE]  }
0x30: {  	s3 =	sld [smem:$0x3FB1]  }
0x31: {  	[smem:$0x3FBA] =	sst s10  }
0x32: {  	s10 =	sld [smem:$0x3FB8];
	_ =	sdelay $0x3  }
0x33: {  	p0 =	seq.s32 s10, $0x1;
	s10 =	sld [smem:$0x3FBA];
	_ =	sdelay $0x3  }
0x34: {  	[smem:$0x3FBA] =	sst s10  }
0x35: {  	s10 =	sld [smem:$0x3FB9];
	_ =	sdelay $0x3  }
0x36: {  	p1 =	seq.s32 s10, $0x1;
	s10 =	sld [smem:$0x3FBA];
	_ =	sdelay $0x3  }
0x37: {  	[smem:$0x3FBA] =	sst s10  }
0x38: {  	s10 =	sld [smem:$0x3FBB]  }
0x39: {  	_ = 	snop;
	(pc) =	sbr.ind lr, $3  }
0x3a: {  	_ = 	snop  }
0x3b: {  	_ = 	snop  }
0x3c: {  	p2 =	seq.s32 s10, $0x1;
	s10 =	sld [smem:$0x3FBA]  }
0x3d: {  	_ =	shalt  }
0x3e: {  	_ =	shalt  }
0x3f: {  	_ =	shalt  }
0x40: {  	_ =	shalt  }
0x41: {  	_ =	shalt  }
0x42: {  	_ =	shalt  }
0x43: {  	_ =	shalt  }
0x44: {  	_ =	shalt  }
0x45: {  	_ =	shalt  }
0x46: {  	_ =	shalt  }
0x47: {  	_ =	shalt  }
0x48: {  	_ =	shalt  }
0x49: {  	_ =	shalt  }
0x4a: {  	_ =	shalt  }
0x4b: {  	_ =	shalt  }
0x4c: {  	_ =	shalt  }
0x4d: {  	_ =	shalt  }
0x4e: {  	_ =	shalt  }
0x4f: {  	_ =	shalt  }
0x50: {  	_ =	shalt  }
0x51: {  	_ =	shalt  }
0x52: {  	_ =	shalt  }
0x53: {  	_ =	shalt  }
0x54: {  	_ =	shalt  }
0x55: {  	_ =	shalt  }
0x56: {  	_ =	shalt  }
0x57: {  	_ =	shalt  }
0x58: {  	_ =	shalt  }
0x59: {  	_ =	shalt  }
0x5a: {  	_ =	shalt  }
0x5b: {  	_ =	shalt  }
0x5c: {  	_ =	shalt  }
0x5d: {  	_ =	shalt  }
0x5e: {  	_ =	shalt  }
0x5f: {  	_ =	shalt  }
0x60: {  	_ =	shalt  }
0x61: {  	_ =	shalt  }
0x62: {  	_ =	shalt  }
0x63: {  	_ =	shalt  }
0x64: {  	_ =	shalt  }
0x65: {  	_ =	shalt  }
0x66: {  	_ =	shalt  }
0x67: {  	_ =	shalt  }
0x68: {  	_ =	shalt  }
0x69: {  	_ =	shalt  }
0x6a: {  	_ =	shalt  }
0x6b: {  	_ =	shalt  }
0x6c: {  	_ =	shalt  }
0x6d: {  	_ =	shalt  }
0x6e: {  	_ =	shalt  }
0x6f: {  	_ =	shalt  }
0x70: {  	_ =	shalt  }
0x71: {  	_ =	shalt  }
0x72: {  	_ =	shalt  }
0x73: {  	_ =	shalt  }
0x74: {  	_ =	shalt  }
0x75: {  	_ =	shalt  }
0x76: {  	_ =	shalt  }
0x77: {  	_ =	shalt  }
0x78: {  	_ =	shalt  }
0x79: {  	_ =	shalt  }
0x7a: {  	_ =	shalt  }
0x7b: {  	_ =	shalt  }
0x7c: {  	_ =	shalt  }
0x7d: {  	_ =	shalt  }
0x7e: {  	_ =	shalt  }
0x7f: {  	_ =	shalt  }
0x80: {  	_ =	shalt  }
0x81: {  	_ =	shalt  }
0x82: {  	_ =	shalt  }
0x83: {  	_ =	shalt  }
0x84: {  	_ =	shalt  }
0x85: {  	_ =	shalt  }
0x86: {  	_ =	shalt  }
0x87: {  	_ =	shalt  }
.Lfunc_end0:
.L_simem_size_0:
called_computation_lowered:
.L_overlay_start_0:
0x88: {  	s2 =	sld [smem:$0x3FD9]  }
0x89: {  	s3 =	sld [smem:$0x3FFE];
	_ =	sdelay $0x1  }
0x8a: {  	s1 =	srdreg.scid  }
0x8b: {  	s0 =	sand.u32 $0x1, s1  }
0x8c: {  	s17 =	sshll.u32 s0, $0xA;
	s2 =	sadd.s32 s3, s2  }
0x8d: {  	s2 =	sadd.s32 s2, s17  }
0x8e: {  	[smem:$0x3FC6] =	sst s2  }
0x8f: {  	_ = 	snop  }
0x90: {  	s2 =	sld [smem:$0x3FC9]  }
0x91: {  	s18 =	sld [smem:$0x3FC8]  }
0x92: {  	s4 =	sld [smem:$0x3FD0];
	(tm) =	ssettm $0x1  }
0x93: {  	s5 =	sld [smem:$0x3FFB];
	_ =	sdelay $0x3  }
0x94: {  	_ =	strace s5  }
0x95: {  	s5 =	sld [smem:$0x3FFC];
	_ =	sdelay $0x3  }
0x96: {  	_ =	strace s5  }
0x97: {  	s5 =	sld [smem:$0x3FFD];
	_ =	sdelay $0x3  }
0x98: {  	_ =	strace s5  }
0x99: {  	_ =	strace $0x8FFFFFFF  }
0x9a: {  	s19 =	sld [smem:$0x3FDB];
	_ =	sdelay $0x1  }
0x9b: {  	s6 =	simm.s32 $_scs_section_size  }
0x9c: {  	s7 =	simm.s32 $_size__tile_overlayer_lowered;
	s8 =	simm.s32 $_tile_overlayer_lowered  }
0x9d: {  	s22 =	simm.s32 $0x1BFF;
	s21 =	sshll.u32 s8, $0x1;
	s5 =	sadd.s32 s6, s19  }
0x9e: {  	s9 =	simm.s32 $0x0;
	s20 =	sshll.u32 s7, $0x1;
	s7 =	sadd.s32 s21, s5  }
0x9f: {  	[timem:s9], [sflag:s22] =	dma.local [hbm:s7], s20  }
0xa0: {  	_ =	swait.ge [sflag:s22], s20  }
0xa1: {  	s6 =	ssub.s32 $0x0, s20;
	[sflag:s22] =	ssyncset.done $0x0  }
0xa2: {  	[sflag:s22] =	ssyncadd.s32 s6;
	_ =	sdelay $0x1  }
0xa3: {  	s23 =	simm.s32 $0x1B8B  }
0xa4: {  	_ =	swait.ge [sflag:s23], $0x1  }
0xa5: {  	[sflag:s23] =	ssyncset.done $0x0  }
0xa6: {  	s25 =	simm.s32 $0x1B8E;
	s24 =	sld [smem:$0x3FFE];
	[sflag:s23] =	ssyncadd.s32 $0xFFFFFFFF  }
0xa7: {  	s26 =	simm.s32 $execute0_lowered;
	[smem:$0x3FD2] =	sst s25  }
0xa8: {  	s7 =	sshll.u32 s26, $0x1;
	_ =	strace $0x80000046;
	[dreg:$0x1] =	wrdreg $0xFFFFFFFF  }
0xa9: {  	s28 =	simm.s32 $_size_execute0_lowered;
	s5 =	sadd.s32 s5, s7;
	[dreg:$0x0] =	wrdreg $0x0  }
0xaa: {  	s7 =	sshll.u32 s28, $0x1;
	[dreg:$0x2] =	wrdreg s5  }
0xab: {  	[dreg:$0x3] =	wrdreg s7  }
0xac: {  	[dreg:$0x4] =	wrdreg $0xC0  }
0xad: {  	_ =	task [dreg:s9], $0x5FFFF  }
0xae: {  	[dreg:$0x1] =	wrdreg $0xFFFFFFFF  }
0xaf: {  	[dreg:$0x0] =	wrdreg $0x60  }
0xb0: {  	[dreg:$0x2] =	wrdreg s2  }
0xb1: {  	[dreg:$0x3] =	wrdreg s18  }
0xb2: {  	[dreg:$0x4] =	wrdreg s24  }
0xb3: {  	[dreg:$0x5] =	wrdreg s4  }
0xb4: {  	[dreg:$0x6] =	wrdreg $0x187000  }
0xb5: {  	[dreg:$0x7] =	wrdreg $0x9  }
0xb6: {  	_ =	task.clear_ibuf [dreg:s9], $0x8FFFF;
	_ =	strace $0x90000046  }
0xb7: {  	s29 =	simm.s32 $0x9;
	_ =	strace $0x80000048  }
0xb8: {  	_ =	swait.ge [sflag:s29], $0x1  }
0xb9: {  	[sflag:s29] =	ssyncadd.s32 $0xFFFFFFFF  }
0xba: {  	_ =	strace $0x90000048  }
0xbb: {  	_ =	sfence  }
0xbc: {  	s30 =	sld [smem:$0x0];
	_ =	sdelay $0x2  }
0xbd: {  	s31 =	sshll.u32 s1, $0xD;
	s1 =	sshrl.u32 s1, $0x2  }
0xbe: {  	s3 =	sand.u32 $0x4000, s31;
	s1 =	sadd.s32 s1, s30  }
0xbf: {  	s0 =	sor.u32 s3, s0;
	s1 =	sshll.u32 s1, $0x11  }
0xc0: {  	s0 =	sor.u32 s1, s0  }
0xc1: {  	s0 =	sadd.s32 $0x8F2B, s0  }
0xc2: {  	[sflag:s0] =	ssyncadd.remote.s32 $0x1  }
0xc3: {  	_ =	sfence.sel $0xFFFF  }
0xc4: {  	[dreg:$0x0] =	wrdreg $0xFFFFFFFF;
	(pc) =	sbr.abs _section_cstart, $3  }
0xc5: {  	[dreg:$0x1] =	wrdreg $0xFFFFFFFF  }
0xc6: {  	_ =	task.clear_ibuf [dreg:s9], $0x2FFFF;
	_ =	strace $0x9FFFFFFF  }
0xc7: {  	(tm) =	ssettm $0x7FFFFFFF  }
tec
execute0_lowered:
.L_overlay_start_1:
0x0: {  	(tag) =	ssettag $0x1  }
0x1: {  	s6 =	rddreg [dreg:$0x0]  }
0x2: {  	s21 =	stileid.u32;
	s4 =	rddreg [dreg:$0x1]  }
0x3: {  	s0 =	srdreg.scid;
	s3 =	rddreg [dreg:$0x2]  }
0x4: {  	s9 =	rddreg [dreg:$0x3];
	s0 =	sand.u32 $0x1, s0;
	s1 =	sshll.u32 s21, $0x1  }
0x5: {  	s11 =	sshll.u32 s21, $0xA;
	s7 =	sor.u32 s0, s1;
	s17 =	ssub.s32 $0x2, s0  }
0x6: {  	s3 =	sadd.s32 s11, s3;
	s1 =	smul.u32 $0x27, s7;
	s2 =	sadd.s32 $0x1, s7  }
0x7: {  	s8 =	smin.u32 s7, $0x2;
	s12 =	sshrl.u32 s17, $0x1;
	s7 =	sshll.u32 s7, $0x4  }
0x8: {  	s2 =	smin.u32 s2, $0x2;
	s7 =	sand.u32 $0x70, s7;
	s5 =	sadd.s32 s8, s1  }
0x9: {  	s1 =	sadd.s32 s2, s1;
	s2 =	ssub.s32 s17, s12;
	s17 =	smul.u32 $0x4E, s21  }
0xa: {  	s1 =	sadd.s32 $0x27, s1;
	s10 =	sxor.u32 $0xFFFFFFFF, s5;
	s19 =	sshll.u32 s5, $0xC  }
0xb: {  	s13 =	sadd.s32 $0x1, s5;
	s14 =	sshll.u32 s5, $0x5;
	s10 =	sadd.s32 s10, s1  }
0xc: {  	s15 =	sshll.u32 s13, $0xC;
	s12 =	sadd.s32 s6, s19;
	s20 =	sadd.s32 s4, s14  }
0xd: {  	s19 =	smul.u32 $0x27, s0;
	p0 =	sge.u32 s5, s1;
	p1 =	sge.u32 s13, s1  }
0xe: {  	s0 =	sshll.u32 s0, $0xE;
	s18 =	sshll.u32 s10, $0x10;
	[dreg:$0x6] =	wrdreg s12  }
0xf: {  	[dreg:$0x7] =	wrdreg s20;
	s22 =	sand.u32 $0x1FFFF000, s15;
	s15 =	sadd.s32 $0x2, s5  }
0x10: {  	s20 =	sadd.s32 $0x4, s5;
	s0 =	sadd.s32 s0, s3;
	s3 =	sadd.s32 $0xC00, s3  }
0x11: {  	s11 =	sshra.s32 s18, $0x10;
	s12 =	sadd.s32 s6, s22;
	s23 =	sshll.u32 s15, $0xC  }
0x12: {  	s18 =	sshll.u32 s21, $0x8;
	s26 =	sadd.s32 s19, s17;
	s28 =	sshll.u32 s20, $0xC  }
0x13: {  	s22 =	sshll.u32 s13, $0x5;
	p6 =	sge.u32 @!p0 s15, s1;
	p3 =	sge.u32 s15, s1  }
0x14: {  	p4 =	sge.u32 s20, s1;
	s0 =	sadd.s32 $0x4C00, s0;
	s13 =	simm.s32 $0x1  }
0x15: {  	s11 =	smul.u32 $0x5556, s11;
	[dreg:$0x8] =	wrdreg s12;
	s12 =	sand.u32 $0x1FFFF000, s23  }
0x16: {  	s25 =	sand.u32 $0xC00, s18;
	s18 =	sand.u32 $0x1FFFF000, s28;
	p6 =	por p6, p0  }
0x17: {  	s12 =	sadd.s32 s6, s12;
	s9 =	sadd.s32 s9, s25;
	s25 =	sshll.u32 s15, $0x5  }
0x18: {  	s15 =	simm.s32 $0x18100;
	s16 =	sshrl.u32 s11, $0x1F;
	s11 =	sshrl.u32 s11, $0x10  }
0x19: {  	[dreg:$0x9] =	wrdreg s12;
	s7 =	sadd.s32 s7, s9;
	s11 =	sadd.s32 s16, s11  }
0x1a: {  	s16 =	sadd.s32 $0x3, s5;
	[dreg:$0xa] =	wrdreg s7;
	s5 =	simm.s32 @!p3 $0x0  }
0x1b: {  	s11 =	smul.u32 $0x3, s11;
	s24 =	sshll.u32 s16, $0xC;
	s28 =	sshll.u32 s16, $0x5  }
0x1c: {  	p2 =	sge.u32 s16, s1;
	s5 =	simm.s32 @p3 $0x1;
	s16 =	simm.s32 $0x8000  }
0x1d: {  	s12 =	sand.u32 $0x1FFFF000, s24;
	s24 =	sadd.s32 s4, s22;
	[smem:$0x7FB] =	sst s5  }
0x1e: {  	s10 =	ssub.s32 s10, s11;
	s11 =	sadd.s32 s8, s26;
	s30 =	sadd.s32 s6, s12  }
0x1f: {  	s12 =	sadd.s32 s6, s18;
	s18 =	sadd.s32 $0x10, s4;
	[dreg:$0xe] =	wrdreg s24  }
0x20: {  	s8 =	sadd.s32 s17, s8;
	s26 =	sadd.s32 s4, s25;
	[dreg:$0xb] =	wrdreg s30  }
0x21: {  	s24 =	sshll.u32 s21, $0x6;
	s29 =	sshll.u32 s11, $0xC;
	[dreg:$0xc] =	wrdreg s12  }
0x22: {  	s23 =	sadd.s32 s14, s18;
	s9 =	sadd.s32 s22, s18;
	[dreg:$0x10] =	wrdreg s26  }
0x23: {  	s12 =	sadd.s32 s25, s18;
	s30 =	sshll.u32 s20, $0x5;
	s11 =	sshll.u32 s11, $0x5  }
0x24: {  	s17 =	sadd.s32 s19, s8;
	s19 =	simm.s32 $0x0;
	s20 =	rddreg [dreg:$0x4]  }
0x25: {  	s22 =	sand.u32 $0xFFFF, s10;
	s25 =	smax.u32 s2, $0x1;
	[dreg:$0xd] =	wrdreg s23  }
0x26: {  	s2 =	simm.s32 $0xC000;
	s10 =	simm.s32 $0x18280;
	[dreg:$0xf] =	wrdreg s9  }
0x27: {  	s6 =	sadd.s32 s6, s29;
	[dreg:$0x11] =	wrdreg s12;
	s29 =	sadd.s32 s4, s28  }
0x28: {  	s9 =	sadd.s32 s28, s18;
	s7 =	sadd.s32 s30, s18;
	s14 =	sadd.s32 s4, s30  }
0x29: {  	s4 =	sadd.s32 s4, s11;
	[smem:$0x7FF] =	sst s19;
	p5 =	seq.s32 s22, $0x0  }
0x2a: {  	p3 =	seq.s32 s22, $0x2;
	s23 =	sshll.u32 s21, $0xD;
	[dreg:$0x12] =	wrdreg s29  }
0x2b: {  	s18 =	sor.u32 $0x1C07, s24;
	[dreg:$0x13] =	wrdreg s9;
	s8 =	simm.s32 @!p3 $0x0  }
0x2c: {  	[dreg:$0x14] =	wrdreg s7;
	s8 =	simm.s32 @p3 $0x1;
	p3 =	sne.s32 s22, $0x1  }
0x2d: {  	s26 =	sadd.s32 $0x7, s17;
	[dreg:$0x15] =	wrdreg s14;
	s5 =	simm.s32 @!p3 $0x0  }
0x2e: {  	s21 =	simm.s32 $0x7;
	[smem:$0x7FC] =	sst s8;
	s5 =	simm.s32 @p3 $0x1  }
0x2f: {  	s17 =	simm.s32 $0x18180;
	[smem:$0x7FD] =	sst s5;
	s5 =	sadd.s32 s23, s20  }
0x30: {  	s11 =	simm.s32 $0x14000;
	_ =	strace $0x80000047;
	[dreg:$0x16] =	wrdreg s5  }
0x31: {  	s12 =	simm.s32 $0x5;
	s24 =	simm.s32 $0x4000;
	[dreg:$0x17] =	wrdreg s3  }
0x32: {  	s28 =	sadd.s32 $0x5000, s6;
	s29 =	sadd.s32 $0x7000, s6;
	[dreg:$0x19] =	wrdreg s0  }
0x33: {  	s30 =	sadd.s32 $0x6000, s6;
	s31 =	sadd.s32 $0xA0, s4;
	[dreg:$0x1a] =	wrdreg s25  }
0x34: {  	s19 =	sadd.s32 $0xE0, s4;
	s14 =	simm.s32 $0x80;
	[dreg:$0x1b] =	wrdreg s26  }
.Ltmp0:
0x35: {  	s6 =	simm.s32 $0x18200;
	[dreg:$0x1c] =	wrdreg s28;
	(pc) =	sbr.rel .LBB2_1-.Ltmp0, $4  }
0x36: {  	s9 =	simm.s32 $0x10000;
	s22 =	simm.s32 $0x18080;
	[dreg:$0x1d] =	wrdreg s29  }
0x37: {  	s8 =	simm.s32 $0x2;
	[dreg:$0x1e] =	wrdreg s30;
	s0 =	sadd.s32 $0xC0, s4  }
0x38: {  	s3 =	simm.s32 $0x18300;
	s4 =	simm.s32 $0x4;
	s5 =	simm.s32 $0x3  }
0x39: {  	v0 =	vimm.f32 $0.0e+00;
	v1 =	vimm.f32 $1.000000000e+00;
	s25 =	simm.s32 $0x6;
	s26 =	simm.s32 $0x0;
	[dreg:$0x18] =	wrdreg s18  }
.LBB2_20:
0x3a: {  	s7 =	simm.s32 $0x6  }
.LBB2_21:
0x3b: {  	_ =	swait.ge [sflag:s7], $0x4000  }
0x3c: {  	[sflag:s7] =	ssyncset.done $0x0  }
0x3d: {  	[sflag:s7] =	ssyncadd.s32 $0xFFFFC000  }
0x3e: {  	_ =	swait.ge [sflag:s7], $0x4000  }
0x3f: {  	[sflag:s7] =	ssyncset.done $0x0  }
0x40: {  	s26 =	rddreg [dreg:$0x1f];
	[sflag:s7] =	ssyncadd.s32 $0xFFFFC000  }
.LBB2_22:
0x41: {  	[bflag:$0x0] =	sbarrier.arrive $0xFFFF  }
0x42: {  	s23 =	sld [smem:$0x7FA];
	_ =	sdelay $0x1  }
0x43: {  	s7 =	rddreg [dreg:$0x19]  }
0x44: {  	[hbm:s7], [sflag:s18] =	dma.local [spmem:s23], $0x400  }
0x45: {  	_ =	swait.ge [sflag:s21], $0x400  }
0x46: {  	[sflag:s21] =	ssyncset.done $0x0  }
0x47: {  	s29 =	simm.s32 $0x400;
	s28 =	rddreg [dreg:$0xa];
	[sflag:s21] =	ssyncadd.s32 $0xFFFFFC00  }
0x48: {  	[hbm4b:s28+s14] =	stream.strided.scatter [tilespmem:s3], [sflag:$0x7], $0x400, s29, s14, $0x38;
	[tilespmem:$0x1A700] =	vst v63  }
0x49: {  	_ =	swait.ge [sflag:s21], $0x400  }
0x4a: {  	s26 =	sadd.s32 $0x1, s26;
	s30 =	rddreg [dreg:$0x1a]  }
0x4b: {  	p3 =	sne.s32 s26, s30  }
.Ltmp1:
0x4c: {  	_ = 	snop;
	(pc) =	sbr.rel @!p3 .LBB2_23-.Ltmp1, $3  }
0x4d: {  	_ =	sdelay $0x1  }
0x4e: {  	[sflag:s21] =	ssyncset.done $0x0  }
0x4f: {  	[sflag:s21] =	ssyncadd.s32 $0xFFFFFC00  }
.LBB2_1:
0x50: {  	[dreg:$0x1f] =	wrdreg s26  }
0x51: {  	s7 =	rddreg [dreg:$0x16]  }
0x52: {  	s30 =	rddreg [dreg:$0x17];
	s23 =	sshrl.u32 s7, $0x3  }
0x53: {  	[smem:$0x7FA] =	sst s23  }
0x54: {  	[spmem:s23], [sflag:s18] =	dma.local [hbm:s30], $0x400  }
0x55: {  	_ =	swait.ge [sflag:s21], $0x400  }
0x56: {  	[sflag:s21] =	ssyncset.done $0x0  }
0x57: {  	s7 =	simm.s32 $0x40;
	s23 =	simm.s32 $0x0;
	[sflag:s21] =	ssyncadd.s32 $0xFFFFFC00  }
.LBB2_2:
0x58: {  	p3 =	sne.s32 s7, $0xFC0;
	[tilespmem:s23+$0x18300] =	vst v0;
	s23 =	smov.u32 s7;
	s7 =	sadd.s32 $0x40, s7  }
.Ltmp2:
0x59: {  	(pc) =	sbr.rel @p3 .LBB2_2-.Ltmp2, $2  }
0x5a: {  	_ =	sdelay $0x2  }
0x5b: {  	s23 =	sshra.s32 s23, $0x2  }
0x5c: {  	[tilespmem:s23+$0x18300] =	vst v0  }
0x5d: {  	[bflag:$0x0] =	sbarrier.arrive $0xFFFF  }
0x5e: {  	s7 =	simm.s32 @!p0 $0x0;
	s18 =	rddreg [dreg:$0x6]  }
0x5f: {  	[tilespmem:s7], [sflag:$0x1] =	stream.linear.gather @!p0 [hbm4b:s18+s7], $0x8000, $0x38;
	[tilespmem:$0x1A700] =	vst v63  }
0x60: {  	s23 =	simm.s32 @!p0 $0x18000;
	s18 =	rddreg [dreg:$0x7]  }
0x61: {  	[tilespmem:s23], [sflag:$0x1] =	stream.linear.gather @!p0 [hbm4b:s18+s7], $0x80, $0x38;
	[tilespmem:$0x1A700] =	vst v63  }
0x62: {  	s28 =	simm.s32 @!p0 $0x18080;
	s18 =	rddreg [dreg:$0xd]  }
0x63: {  	[tilespmem:s28], [sflag:$0x1] =	stream.linear.gather @!p0 [hbm4b:s18+s7], $0x80, $0x38;
	[tilespmem:$0x1A700] =	vst v63  }
0x64: {  	s29 =	simm.s32 @!p1 $0x0;
	s30 =	simm.s32 @!p1 $0x8000;
	s18 =	rddreg [dreg:$0x8]  }
0x65: {  	[tilespmem:s30], [sflag:$0x2] =	stream.linear.gather @!p1 [hbm4b:s18+s29], $0x8000, $0x38;
	[tilespmem:$0x1A700] =	vst v63  }
0x66: {  	s30 =	simm.s32 @!p1 $0x18100;
	s18 =	rddreg [dreg:$0xe]  }
0x67: {  	[tilespmem:s30], [sflag:$0x2] =	stream.linear.gather @!p1 [hbm4b:s18+s29], $0x80, $0x38;
	[tilespmem:$0x1A700] =	vst v63  }
0x68: {  	s30 =	simm.s32 @!p1 $0x18180;
	s18 =	rddreg [dreg:$0xf]  }
0x69: {  	[tilespmem:s30], [sflag:$0x2] =	stream.linear.gather @!p1 [hbm4b:s18+s29], $0x80, $0x38;
	[tilespmem:$0x1A700] =	vst v63  }
0x6a: {  	s29 =	simm.s32 @!p0 $0x1  }
0x6b: {  	_ =	swait.ge @!p0 [sflag:s29], $0x8000  }
0x6c: {  	[sflag:s29] =	ssyncset.done @!p0 $0x0  }
0x6d: {  	[sflag:s29] =	ssyncadd.s32 @!p0 $0xFFFF8000  }
0x6e: {  	_ =	swait.ge @!p0 [sflag:s29], $0x80  }
0x6f: {  	[sflag:s29] =	ssyncset.done @!p0 $0x0  }
0x70: {  	[sflag:s29] =	ssyncadd.s32 @!p0 $0xFFFFFF80  }
0x71: {  	_ =	swait.ge @!p0 [sflag:s29], $0x80  }
0x72: {  	[sflag:s29] =	ssyncset.done @!p0 $0x0  }
0x73: {  	[sflag:s29] =	ssyncadd.s32 @!p0 $0xFFFFFF80;
	s29 =	simm.s32 @!p0 $0x80  }
0x74: {  	[spmem:s20] =	stream.indirect.scatter.add.f32 @!p0 [tilespmem:s7], [sflag:$0x4], $0x80, s23, s29, $0xb8;
	[tilespmem:$0x1A700] =	vst v63  }
0x75: {  	s7 =	simm.s32 @!p0 $0x4000  }
0x76: {  	[spmem:s20] =	stream.indirect.scatter.add.f32 @!p0 [tilespmem:s7], [sflag:$0x4], $0x80, s28, s29, $0xb8;
	[tilespmem:$0x1A700] =	vst v63  }
0x77: {  	v2 =	vld @!p0 [tilespmem:$0x18000];
	_ =	sdelay $0x6  }
0x78: {  	v3 =	vimm.f32 @!p0 $1.000000000e+00;
	s7 =	simm.s32 @!p0 $0x18300  }
0x79: {  	[tilespmem:v2+s7+$0x0] =	vst.idx.add.f32.msk @!p0 $0xffff, v3  }
0x7a: {  	v2 =	vld @!p0 [tilespmem:$0x18010];
	_ =	sdelay $0x7  }
0x7b: {  	[tilespmem:v2+s7+$0x0] =	vst.idx.add.f32.msk @!p0 $0xffff, v3  }
0x7c: {  	v2 =	vld @!p0 [tilespmem:$0x18020];
	_ =	sdelay $0x7  }
0x7d: {  	[tilespmem:v2+s7+$0x0] =	vst.idx.add.f32.msk @!p0 $0xffff, v3  }
0x7e: {  	v2 =	vld @!p0 [tilespmem:$0x18030];
	_ =	sdelay $0x7  }
0x7f: {  	[tilespmem:v2+s7+$0x0] =	vst.idx.add.f32.msk @!p0 $0xffff, v3  }
0x80: {  	v2 =	vld @!p0 [tilespmem:$0x18040];
	_ =	sdelay $0x7  }
0x81: {  	[tilespmem:v2+s7+$0x0] =	vst.idx.add.f32.msk @!p0 $0xffff, v3  }
0x82: {  	v2 =	vld @!p0 [tilespmem:$0x18050];
	_ =	sdelay $0x7  }
0x83: {  	[tilespmem:v2+s7+$0x0] =	vst.idx.add.f32.msk @!p0 $0xffff, v3  }
0x84: {  	v2 =	vld @!p0 [tilespmem:$0x18060];
	_ =	sdelay $0x7  }
0x85: {  	[tilespmem:v2+s7+$0x0] =	vst.idx.add.f32.msk @!p0 $0xffff, v3  }
0x86: {  	v2 =	vld @!p0 [tilespmem:$0x18070];
	_ =	sdelay $0x7  }
0x87: {  	[tilespmem:v2+s7+$0x0] =	vst.idx.add.f32.msk @!p0 $0xffff, v3  }
0x88: {  	v2 =	vld @!p0 [tilespmem:$0x18080];
	_ =	sdelay $0x7  }
0x89: {  	[tilespmem:v2+s7+$0x0] =	vst.idx.add.f32.msk @!p0 $0xffff, v3  }
0x8a: {  	v2 =	vld @!p0 [tilespmem:$0x18090];
	_ =	sdelay $0x7  }
0x8b: {  	[tilespmem:v2+s7+$0x0] =	vst.idx.add.f32.msk @!p0 $0xffff, v3  }
0x8c: {  	v2 =	vld @!p0 [tilespmem:$0x180A0];
	_ =	sdelay $0x7  }
0x8d: {  	[tilespmem:v2+s7+$0x0] =	vst.idx.add.f32.msk @!p0 $0xffff, v3  }
0x8e: {  	v2 =	vld @!p0 [tilespmem:$0x180B0];
	_ =	sdelay $0x7  }
0x8f: {  	[tilespmem:v2+s7+$0x0] =	vst.idx.add.f32.msk @!p0 $0xffff, v3  }
0x90: {  	v2 =	vld @!p0 [tilespmem:$0x180C0];
	_ =	sdelay $0x7  }
0x91: {  	[tilespmem:v2+s7+$0x0] =	vst.idx.add.f32.msk @!p0 $0xffff, v3  }
0x92: {  	v2 =	vld @!p0 [tilespmem:$0x180D0];
	_ =	sdelay $0x7  }
0x93: {  	[tilespmem:v2+s7+$0x0] =	vst.idx.add.f32.msk @!p0 $0xffff, v3  }
0x94: {  	v2 =	vld @!p0 [tilespmem:$0x180E0];
	_ =	sdelay $0x7  }
0x95: {  	[tilespmem:v2+s7+$0x0] =	vst.idx.add.f32.msk @!p0 $0xffff, v3  }
0x96: {  	v2 =	vld @!p0 [tilespmem:$0x180F0];
	_ =	sdelay $0x7  }
0x97: {  	s18 =	rddreg [dreg:$0x9];
	s23 =	simm.s32 @!p6 $0x10000;
	[tilespmem:v2+s7+$0x0] =	vst.idx.add.f32.msk @!p0 $0xffff, v3;
	s7 =	simm.s32 @!p6 $0x0  }
0x98: {  	[tilespmem:s23], [sflag:$0x3] =	stream.linear.gather @!p6 [hbm4b:s18+s7], $0x8000, $0x38;
	[tilespmem:$0x1A700] =	vst v63  }
.Ltmp3:
0x99: {  	_ = 	snop;
	(pc) =	sbr.rel @p1 .LBB2_5-.Ltmp3, $4  }
0x9a: {  	s23 =	simm.s32 @!p6 $0x18200;
	s18 =	rddreg [dreg:$0x10]  }
0x9b: {  	[tilespmem:s23], [sflag:$0x3] =	stream.linear.gather @!p6 [hbm4b:s18+s7], $0x80, $0x38;
	[tilespmem:$0x1A700] =	vst v63  }
0x9c: {  	s23 =	simm.s32 @!p6 $0x18280;
	s18 =	rddreg [dreg:$0x11]  }
0x9d: {  	[tilespmem:s23], [sflag:$0x3] =	stream.linear.gather @!p6 [hbm4b:s18+s7], $0x80, $0x38;
	[tilespmem:$0x1A700] =	vst v63  }
0x9e: {  	_ =	swait.ge [sflag:s8], $0x8000  }
0x9f: {  	[sflag:s8] =	ssyncset.done $0x0  }
0xa0: {  	[sflag:s8] =	ssyncadd.s32 $0xFFFF8000  }
0xa1: {  	_ =	swait.ge [sflag:s8], $0x80  }
0xa2: {  	[sflag:s8] =	ssyncset.done $0x0  }
0xa3: {  	[sflag:s8] =	ssyncadd.s32 $0xFFFFFF80  }
0xa4: {  	_ =	swait.ge [sflag:s8], $0x80  }
0xa5: {  	[sflag:s8] =	ssyncset.done $0x0  }
0xa6: {  	[sflag:s8] =	ssyncadd.s32 $0xFFFFFF80  }
0xa7: {  	[spmem:s20] =	stream.indirect.scatter.add.f32 [tilespmem:s16], [sflag:$0x5], $0x80, s15, s14, $0xb8;
	[tilespmem:$0x1A700] =	vst v63  }
0xa8: {  	_ = 	snop  }
0xa9: {  	[spmem:s20] =	stream.indirect.scatter.add.f32 [tilespmem:s2], [sflag:$0x5], $0x80, s17, s14, $0xb8;
	[tilespmem:$0x1A700] =	vst v63  }
0xaa: {  	v2 =	vld [tilespmem:$0x18100];
	_ =	sdelay $0x7  }
0xab: {  	[tilespmem:v2+s3+$0x0] =	vst.idx.add.f32.msk $0xffff, v1  }
0xac: {  	v2 =	vld [tilespmem:$0x18110];
	_ =	sdelay $0x7  }
0xad: {  	[tilespmem:v2+s3+$0x0] =	vst.idx.add.f32.msk $0xffff, v1  }
0xae: {  	v2 =	vld [tilespmem:$0x18120];
	_ =	sdelay $0x7  }
0xaf: {  	[tilespmem:v2+s3+$0x0] =	vst.idx.add.f32.msk $0xffff, v1  }
0xb0: {  	v2 =	vld [tilespmem:$0x18130];
	_ =	sdelay $0x7  }
0xb1: {  	[tilespmem:v2+s3+$0x0] =	vst.idx.add.f32.msk $0xffff, v1  }
0xb2: {  	v2 =	vld [tilespmem:$0x18140];
	_ =	sdelay $0x7  }
0xb3: {  	[tilespmem:v2+s3+$0x0] =	vst.idx.add.f32.msk $0xffff, v1  }
0xb4: {  	v2 =	vld [tilespmem:$0x18150];
	_ =	sdelay $0x7  }
0xb5: {  	[tilespmem:v2+s3+$0x0] =	vst.idx.add.f32.msk $0xffff, v1  }
0xb6: {  	v2 =	vld [tilespmem:$0x18160];
	_ =	sdelay $0x7  }
0xb7: {  	[tilespmem:v2+s3+$0x0] =	vst.idx.add.f32.msk $0xffff, v1  }
0xb8: {  	v2 =	vld [tilespmem:$0x18170];
	_ =	sdelay $0x7  }
0xb9: {  	[tilespmem:v2+s3+$0x0] =	vst.idx.add.f32.msk $0xffff, v1  }
0xba: {  	v2 =	vld [tilespmem:$0x18180];
	_ =	sdelay $0x7  }
0xbb: {  	[tilespmem:v2+s3+$0x0] =	vst.idx.add.f32.msk $0xffff, v1  }
0xbc: {  	v2 =	vld [tilespmem:$0x18190];
	_ =	sdelay $0x7  }
0xbd: {  	[tilespmem:v2+s3+$0x0] =	vst.idx.add.f32.msk $0xffff, v1  }
0xbe: {  	v2 =	vld [tilespmem:$0x181A0];
	_ =	sdelay $0x7  }
0xbf: {  	[tilespmem:v2+s3+$0x0] =	vst.idx.add.f32.msk $0xffff, v1  }
0xc0: {  	v2 =	vld [tilespmem:$0x181B0];
	_ =	sdelay $0x7  }
0xc1: {  	[tilespmem:v2+s3+$0x0] =	vst.idx.add.f32.msk $0xffff, v1  }
0xc2: {  	v2 =	vld [tilespmem:$0x181C0];
	_ =	sdelay $0x7  }
0xc3: {  	[tilespmem:v2+s3+$0x0] =	vst.idx.add.f32.msk $0xffff, v1  }
0xc4: {  	v2 =	vld [tilespmem:$0x181D0];
	_ =	sdelay $0x7  }
0xc5: {  	[tilespmem:v2+s3+$0x0] =	vst.idx.add.f32.msk $0xffff, v1  }
0xc6: {  	v2 =	vld [tilespmem:$0x181E0];
	_ =	sdelay $0x7  }
0xc7: {  	[tilespmem:v2+s3+$0x0] =	vst.idx.add.f32.msk $0xffff, v1  }
0xc8: {  	v2 =	vld [tilespmem:$0x181F0];
	_ =	sdelay $0x7  }
0xc9: {  	[tilespmem:v2+s3+$0x0] =	vst.idx.add.f32.msk $0xffff, v1  }
0xca: {  	_ =	swait.ge [sflag:s4], $0x4000  }
0xcb: {  	[sflag:s4] =	ssyncset.done $0x0  }
0xcc: {  	[sflag:s4] =	ssyncadd.s32 $0xFFFFC000  }
0xcd: {  	_ =	swait.ge [sflag:s4], $0x4000  }
0xce: {  	[sflag:s4] =	ssyncset.done $0x0  }
0xcf: {  	s7 =	simm.s32 @!p2 $0x0;
	s18 =	rddreg [dreg:$0xb];
	[sflag:s4] =	ssyncadd.s32 $0xFFFFC000  }
0xd0: {  	[tilespmem:s7], [sflag:$0x1] =	stream.linear.gather @!p2 [hbm4b:s18+s7], $0x8000, $0x38;
	[tilespmem:$0x1A700] =	vst v63  }
0xd1: {  	s23 =	simm.s32 @!p2 $0x18000;
	s18 =	rddreg [dreg:$0x12]  }
0xd2: {  	[tilespmem:s23], [sflag:$0x1] =	stream.linear.gather @!p2 [hbm4b:s18+s7], $0x80, $0x38;
	[tilespmem:$0x1A700] =	vst v63  }
0xd3: {  	s23 =	simm.s32 @!p2 $0x18080;
	s18 =	rddreg [dreg:$0x13]  }
0xd4: {  	[tilespmem:s23], [sflag:$0x1] =	stream.linear.gather @!p2 [hbm4b:s18+s7], $0x80, $0x38;
	[tilespmem:$0x1A700] =	vst v63  }
.LBB2_5:
0xd5: {  	s7 =	sld [smem:$0x7FB];
	_ =	sdelay $0x2  }
0xd6: {  	p3 =	seq.s32 s7, $0x1  }
.Ltmp4:
0xd7: {  	_ = 	snop;
	(pc) =	sbr.rel @p3 .LBB2_7-.Ltmp4, $1  }
0xd8: {  	_ =	sdelay $0x3  }
0xd9: {  	_ =	swait.ge [sflag:s5], $0x8000  }
0xda: {  	[sflag:s5] =	ssyncset.done $0x0  }
0xdb: {  	[sflag:s5] =	ssyncadd.s32 $0xFFFF8000  }
0xdc: {  	_ =	swait.ge [sflag:s5], $0x80  }
0xdd: {  	[sflag:s5] =	ssyncset.done $0x0  }
0xde: {  	[sflag:s5] =	ssyncadd.s32 $0xFFFFFF80  }
0xdf: {  	_ =	swait.ge [sflag:s5], $0x80  }
0xe0: {  	[sflag:s5] =	ssyncset.done $0x0  }
0xe1: {  	[sflag:s5] =	ssyncadd.s32 $0xFFFFFF80  }
0xe2: {  	[spmem:s20] =	stream.indirect.scatter.add.f32 [tilespmem:s9], [sflag:$0x6], $0x80, s6, s14, $0xb8;
	[tilespmem:$0x1A700] =	vst v63  }
0xe3: {  	_ = 	snop  }
0xe4: {  	[spmem:s20] =	stream.indirect.scatter.add.f32 [tilespmem:s11], [sflag:$0x6], $0x80, s10, s14, $0xb8;
	[tilespmem:$0x1A700] =	vst v63  }
0xe5: {  	v2 =	vld [tilespmem:$0x18200];
	_ =	sdelay $0x7  }
0xe6: {  	[tilespmem:v2+s3+$0x0] =	vst.idx.add.f32.msk $0xffff, v1  }
0xe7: {  	v2 =	vld [tilespmem:$0x18210];
	_ =	sdelay $0x7  }
0xe8: {  	[tilespmem:v2+s3+$0x0] =	vst.idx.add.f32.msk $0xffff, v1  }
0xe9: {  	v2 =	vld [tilespmem:$0x18220];
	_ =	sdelay $0x7  }
0xea: {  	[tilespmem:v2+s3+$0x0] =	vst.idx.add.f32.msk $0xffff, v1  }
0xeb: {  	v2 =	vld [tilespmem:$0x18230];
	_ =	sdelay $0x7  }
0xec: {  	[tilespmem:v2+s3+$0x0] =	vst.idx.add.f32.msk $0xffff, v1  }
0xed: {  	v2 =	vld [tilespmem:$0x18240];
	_ =	sdelay $0x7  }
0xee: {  	[tilespmem:v2+s3+$0x0] =	vst.idx.add.f32.msk $0xffff, v1  }
0xef: {  	v2 =	vld [tilespmem:$0x18250];
	_ =	sdelay $0x7  }
0xf0: {  	[tilespmem:v2+s3+$0x0] =	vst.idx.add.f32.msk $0xffff, v1  }
0xf1: {  	v2 =	vld [tilespmem:$0x18260];
	_ =	sdelay $0x7  }
0xf2: {  	[tilespmem:v2+s3+$0x0] =	vst.idx.add.f32.msk $0xffff, v1  }
0xf3: {  	v2 =	vld [tilespmem:$0x18270];
	_ =	sdelay $0x7  }
0xf4: {  	[tilespmem:v2+s3+$0x0] =	vst.idx.add.f32.msk $0xffff, v1  }
0xf5: {  	v2 =	vld [tilespmem:$0x18280];
	_ =	sdelay $0x7  }
0xf6: {  	[tilespmem:v2+s3+$0x0] =	vst.idx.add.f32.msk $0xffff, v1  }
0xf7: {  	v2 =	vld [tilespmem:$0x18290];
	_ =	sdelay $0x7  }
0xf8: {  	[tilespmem:v2+s3+$0x0] =	vst.idx.add.f32.msk $0xffff, v1  }
0xf9: {  	v2 =	vld [tilespmem:$0x182A0];
	_ =	sdelay $0x7  }
0xfa: {  	[tilespmem:v2+s3+$0x0] =	vst.idx.add.f32.msk $0xffff, v1  }
0xfb: {  	v2 =	vld [tilespmem:$0x182B0];
	_ =	sdelay $0x7  }
0xfc: {  	[tilespmem:v2+s3+$0x0] =	vst.idx.add.f32.msk $0xffff, v1  }
0xfd: {  	v2 =	vld [tilespmem:$0x182C0];
	_ =	sdelay $0x7  }
0xfe: {  	[tilespmem:v2+s3+$0x0] =	vst.idx.add.f32.msk $0xffff, v1  }
0xff: {  	v2 =	vld [tilespmem:$0x182D0];
	_ =	sdelay $0x7  }
0x100: {  	[tilespmem:v2+s3+$0x0] =	vst.idx.add.f32.msk $0xffff, v1  }
0x101: {  	v2 =	vld [tilespmem:$0x182E0];
	_ =	sdelay $0x7  }
0x102: {  	[tilespmem:v2+s3+$0x0] =	vst.idx.add.f32.msk $0xffff, v1  }
0x103: {  	v2 =	vld [tilespmem:$0x182F0];
	_ =	sdelay $0x7  }
0x104: {  	[tilespmem:v2+s3+$0x0] =	vst.idx.add.f32.msk $0xffff, v1  }
0x105: {  	_ =	swait.ge [sflag:s12], $0x4000  }
0x106: {  	[sflag:s12] =	ssyncset.done $0x0  }
0x107: {  	[sflag:s12] =	ssyncadd.s32 $0xFFFFC000  }
0x108: {  	_ =	swait.ge [sflag:s12], $0x4000  }
0x109: {  	s7 =	simm.s32 @!p4 $0x0;
	[sflag:s12] =	ssyncset.done $0x0  }
0x10a: {  	s23 =	simm.s32 @!p4 $0x8000;
	s18 =	rddreg [dreg:$0xc];
	[sflag:s12] =	ssyncadd.s32 $0xFFFFC000  }
0x10b: {  	[tilespmem:s23], [sflag:$0x2] =	stream.linear.gather @!p4 [hbm4b:s18+s7], $0x8000, $0x38;
	[tilespmem:$0x1A700] =	vst v63  }
0x10c: {  	s23 =	simm.s32 @!p4 $0x18100;
	s18 =	rddreg [dreg:$0x15]  }
0x10d: {  	[tilespmem:s23], [sflag:$0x2] =	stream.linear.gather @!p4 [hbm4b:s18+s7], $0x80, $0x38;
	[tilespmem:$0x1A700] =	vst v63  }
0x10e: {  	s23 =	simm.s32 @!p4 $0x18180;
	s18 =	rddreg [dreg:$0x14]  }
0x10f: {  	[tilespmem:s23], [sflag:$0x2] =	stream.linear.gather @!p4 [hbm4b:s18+s7], $0x80, $0x38;
	[tilespmem:$0x1A700] =	vst v63  }
.LBB2_7:
.Ltmp5:
0x110: {  	(pc) =	sbr.rel .LBB2_8-.Ltmp5, $4  }
0x111: {  	s30 =	rddreg [dreg:$0x1e]  }
0x112: {  	s23 =	rddreg [dreg:$0x1d]  }
0x113: {  	s28 =	rddreg [dreg:$0x1b]  }
0x114: {  	s29 =	simm.s32 $0x0;
	s7 =	rddreg [dreg:$0x1c]  }
.LBB2_14:
0x115: {  	s29 =	sadd.s32 $0x60, s29  }
0x116: {  	p3 =	sne.s32 s29, $0x4E0  }
.Ltmp6:
0x117: {  	_ = 	snop;
	(pc) =	sbr.rel @!p3 .LBB2_15-.Ltmp6, $3  }
0x118: {  	_ =	sdelay $0x1  }
0x119: {  	s7 =	sadd.s32 $0x3000, s7  }
0x11a: {  	s28 =	sadd.s32 $0x3, s28;
	s23 =	sadd.s32 $0x3000, s23;
	s30 =	sadd.s32 $0x3000, s30  }
.LBB2_8:
0x11b: {  	s26 =	sadd.s32 $0xFFFFFFFC, s28  }
0x11c: {  	p3 =	sge.u32 s26, s1  }
.Ltmp7:
0x11d: {  	_ = 	snop;
	(pc) =	sbr.rel @p3 .LBB2_10-.Ltmp7, $1  }
0x11e: {  	_ =	sdelay $0x3  }
0x11f: {  	_ =	swait.ge [sflag:s13], $0x8000  }
0x120: {  	[sflag:s13] =	ssyncset.done $0x0  }
0x121: {  	[sflag:s13] =	ssyncadd.s32 $0xFFFF8000  }
0x122: {  	_ =	swait.ge [sflag:s13], $0x80  }
0x123: {  	[sflag:s13] =	ssyncset.done $0x0  }
0x124: {  	[sflag:s13] =	ssyncadd.s32 $0xFFFFFF80  }
0x125: {  	_ =	swait.ge [sflag:s13], $0x80  }
0x126: {  	[sflag:s13] =	ssyncset.done $0x0  }
0x127: {  	s18 =	simm.s32 $0x0;
	s21 =	simm.s32 $0x18000;
	[sflag:s13] =	ssyncadd.s32 $0xFFFFFF80  }
0x128: {  	[spmem:s20] =	stream.indirect.scatter.add.f32 [tilespmem:s18], [sflag:$0x4], $0x80, s21, s14, $0xb8;
	[tilespmem:$0x1A700] =	vst v63  }
0x129: {  	_ = 	snop  }
0x12a: {  	[spmem:s20] =	stream.indirect.scatter.add.f32 [tilespmem:s24], [sflag:$0x4], $0x80, s22, s14, $0xb8;
	[tilespmem:$0x1A700] =	vst v63  }
0x12b: {  	v2 =	vld [tilespmem:$0x18000];
	_ =	sdelay $0x7  }
0x12c: {  	[tilespmem:v2+s3+$0x0] =	vst.idx.add.f32.msk $0xffff, v1  }
0x12d: {  	v2 =	vld [tilespmem:$0x18010];
	_ =	sdelay $0x7  }
0x12e: {  	[tilespmem:v2+s3+$0x0] =	vst.idx.add.f32.msk $0xffff, v1  }
0x12f: {  	v2 =	vld [tilespmem:$0x18020];
	_ =	sdelay $0x7  }
0x130: {  	[tilespmem:v2+s3+$0x0] =	vst.idx.add.f32.msk $0xffff, v1  }
0x131: {  	v2 =	vld [tilespmem:$0x18030];
	_ =	sdelay $0x7  }
0x132: {  	[tilespmem:v2+s3+$0x0] =	vst.idx.add.f32.msk $0xffff, v1  }
0x133: {  	v2 =	vld [tilespmem:$0x18040];
	_ =	sdelay $0x7  }
0x134: {  	[tilespmem:v2+s3+$0x0] =	vst.idx.add.f32.msk $0xffff, v1  }
0x135: {  	v2 =	vld [tilespmem:$0x18050];
	_ =	sdelay $0x7  }
0x136: {  	[tilespmem:v2+s3+$0x0] =	vst.idx.add.f32.msk $0xffff, v1  }
0x137: {  	v2 =	vld [tilespmem:$0x18060];
	_ =	sdelay $0x7  }
0x138: {  	[tilespmem:v2+s3+$0x0] =	vst.idx.add.f32.msk $0xffff, v1  }
0x139: {  	v2 =	vld [tilespmem:$0x18070];
	_ =	sdelay $0x7  }
0x13a: {  	[tilespmem:v2+s3+$0x0] =	vst.idx.add.f32.msk $0xffff, v1  }
0x13b: {  	v2 =	vld [tilespmem:$0x18080];
	_ =	sdelay $0x7  }
0x13c: {  	[tilespmem:v2+s3+$0x0] =	vst.idx.add.f32.msk $0xffff, v1  }
0x13d: {  	v2 =	vld [tilespmem:$0x18090];
	_ =	sdelay $0x7  }
0x13e: {  	[tilespmem:v2+s3+$0x0] =	vst.idx.add.f32.msk $0xffff, v1  }
0x13f: {  	v2 =	vld [tilespmem:$0x180A0];
	_ =	sdelay $0x7  }
0x140: {  	[tilespmem:v2+s3+$0x0] =	vst.idx.add.f32.msk $0xffff, v1  }
0x141: {  	v2 =	vld [tilespmem:$0x180B0];
	_ =	sdelay $0x7  }
0x142: {  	[tilespmem:v2+s3+$0x0] =	vst.idx.add.f32.msk $0xffff, v1  }
0x143: {  	v2 =	vld [tilespmem:$0x180C0];
	_ =	sdelay $0x7  }
0x144: {  	[tilespmem:v2+s3+$0x0] =	vst.idx.add.f32.msk $0xffff, v1  }
0x145: {  	v2 =	vld [tilespmem:$0x180D0];
	_ =	sdelay $0x7  }
0x146: {  	[tilespmem:v2+s3+$0x0] =	vst.idx.add.f32.msk $0xffff, v1  }
0x147: {  	v2 =	vld [tilespmem:$0x180E0];
	_ =	sdelay $0x7  }
0x148: {  	[tilespmem:v2+s3+$0x0] =	vst.idx.add.f32.msk $0xffff, v1  }
0x149: {  	v2 =	vld [tilespmem:$0x180F0];
	_ =	sdelay $0x7  }
0x14a: {  	[tilespmem:v2+s3+$0x0] =	vst.idx.add.f32.msk $0xffff, v1  }
0x14b: {  	_ =	swait.ge [sflag:s25], $0x4000  }
0x14c: {  	[sflag:s25] =	ssyncset.done $0x0  }
0x14d: {  	[sflag:s25] =	ssyncadd.s32 $0xFFFFC000  }
0x14e: {  	s26 =	sadd.s32 $0xFFFFFFFE, s28;
	_ =	swait.ge [sflag:s25], $0x4000  }
0x14f: {  	p3 =	sge.u32 s26, s1;
	[sflag:s25] =	ssyncset.done $0x0  }
0x150: {  	s26 =	simm.s32 @!p3 $0x0;
	s18 =	simm.s32 @!p3 $0x10000;
	[sflag:s25] =	ssyncadd.s32 $0xFFFFC000  }
0x151: {  	[tilespmem:s18], [sflag:$0x3] =	stream.linear.gather @!p3 [hbm4b:s7+s26], $0x8000, $0x38;
	[tilespmem:$0x1A700] =	vst v63  }
0x152: {  	s21 =	simm.s32 @!p3 $0x18200;
	s18 =	sadd.s32 @!p3 s29, s31  }
0x153: {  	[tilespmem:s21], [sflag:$0x3] =	stream.linear.gather @!p3 [hbm4b:s18+s26], $0x80, $0x38;
	[tilespmem:$0x1A700] =	vst v63  }
0x154: {  	s18 =	sadd.s32 @!p3 $0x10, s18;
	s21 =	simm.s32 @!p3 $0x18280  }
0x155: {  	[tilespmem:s21], [sflag:$0x3] =	stream.linear.gather @!p3 [hbm4b:s18+s26], $0x80, $0x38;
	[tilespmem:$0x1A700] =	vst v63  }
.LBB2_10:
0x156: {  	s18 =	sadd.s32 $0xFFFFFFFD, s28  }
0x157: {  	p3 =	sge.u32 s18, s1  }
.Ltmp8:
0x158: {  	_ = 	snop;
	(pc) =	sbr.rel @p3 .LBB2_12-.Ltmp8, $1  }
0x159: {  	_ =	sdelay $0x3  }
0x15a: {  	_ =	swait.ge [sflag:s8], $0x8000  }
0x15b: {  	[sflag:s8] =	ssyncset.done $0x0  }
0x15c: {  	[sflag:s8] =	ssyncadd.s32 $0xFFFF8000  }
0x15d: {  	_ =	swait.ge [sflag:s8], $0x80  }
0x15e: {  	[sflag:s8] =	ssyncset.done $0x0  }
0x15f: {  	[sflag:s8] =	ssyncadd.s32 $0xFFFFFF80  }
0x160: {  	_ =	swait.ge [sflag:s8], $0x80  }
0x161: {  	[sflag:s8] =	ssyncset.done $0x0  }
0x162: {  	[sflag:s8] =	ssyncadd.s32 $0xFFFFFF80  }
0x163: {  	[spmem:s20] =	stream.indirect.scatter.add.f32 [tilespmem:s16], [sflag:$0x5], $0x80, s15, s14, $0xb8;
	[tilespmem:$0x1A700] =	vst v63  }
0x164: {  	_ = 	snop  }
0x165: {  	[spmem:s20] =	stream.indirect.scatter.add.f32 [tilespmem:s2], [sflag:$0x5], $0x80, s17, s14, $0xb8;
	[tilespmem:$0x1A700] =	vst v63  }
0x166: {  	v2 =	vld [tilespmem:$0x18100];
	_ =	sdelay $0x7  }
0x167: {  	[tilespmem:v2+s3+$0x0] =	vst.idx.add.f32.msk $0xffff, v1  }
0x168: {  	v2 =	vld [tilespmem:$0x18110];
	_ =	sdelay $0x7  }
0x169: {  	[tilespmem:v2+s3+$0x0] =	vst.idx.add.f32.msk $0xffff, v1  }
0x16a: {  	v2 =	vld [tilespmem:$0x18120];
	_ =	sdelay $0x7  }
0x16b: {  	[tilespmem:v2+s3+$0x0] =	vst.idx.add.f32.msk $0xffff, v1  }
0x16c: {  	v2 =	vld [tilespmem:$0x18130];
	_ =	sdelay $0x7  }
0x16d: {  	[tilespmem:v2+s3+$0x0] =	vst.idx.add.f32.msk $0xffff, v1  }
0x16e: {  	v2 =	vld [tilespmem:$0x18140];
	_ =	sdelay $0x7  }
0x16f: {  	[tilespmem:v2+s3+$0x0] =	vst.idx.add.f32.msk $0xffff, v1  }
0x170: {  	v2 =	vld [tilespmem:$0x18150];
	_ =	sdelay $0x7  }
0x171: {  	[tilespmem:v2+s3+$0x0] =	vst.idx.add.f32.msk $0xffff, v1  }
0x172: {  	v2 =	vld [tilespmem:$0x18160];
	_ =	sdelay $0x7  }
0x173: {  	[tilespmem:v2+s3+$0x0] =	vst.idx.add.f32.msk $0xffff, v1  }
0x174: {  	v2 =	vld [tilespmem:$0x18170];
	_ =	sdelay $0x7  }
0x175: {  	[tilespmem:v2+s3+$0x0] =	vst.idx.add.f32.msk $0xffff, v1  }
0x176: {  	v2 =	vld [tilespmem:$0x18180];
	_ =	sdelay $0x7  }
0x177: {  	[tilespmem:v2+s3+$0x0] =	vst.idx.add.f32.msk $0xffff, v1  }
0x178: {  	v2 =	vld [tilespmem:$0x18190];
	_ =	sdelay $0x7  }
0x179: {  	[tilespmem:v2+s3+$0x0] =	vst.idx.add.f32.msk $0xffff, v1  }
0x17a: {  	v2 =	vld [tilespmem:$0x181A0];
	_ =	sdelay $0x7  }
0x17b: {  	[tilespmem:v2+s3+$0x0] =	vst.idx.add.f32.msk $0xffff, v1  }
0x17c: {  	v2 =	vld [tilespmem:$0x181B0];
	_ =	sdelay $0x7  }
0x17d: {  	[tilespmem:v2+s3+$0x0] =	vst.idx.add.f32.msk $0xffff, v1  }
0x17e: {  	v2 =	vld [tilespmem:$0x181C0];
	_ =	sdelay $0x7  }
0x17f: {  	[tilespmem:v2+s3+$0x0] =	vst.idx.add.f32.msk $0xffff, v1  }
0x180: {  	v2 =	vld [tilespmem:$0x181D0];
	_ =	sdelay $0x7  }
0x181: {  	[tilespmem:v2+s3+$0x0] =	vst.idx.add.f32.msk $0xffff, v1  }
0x182: {  	v2 =	vld [tilespmem:$0x181E0];
	_ =	sdelay $0x7  }
0x183: {  	[tilespmem:v2+s3+$0x0] =	vst.idx.add.f32.msk $0xffff, v1  }
0x184: {  	v2 =	vld [tilespmem:$0x181F0];
	_ =	sdelay $0x7  }
0x185: {  	[tilespmem:v2+s3+$0x0] =	vst.idx.add.f32.msk $0xffff, v1  }
0x186: {  	_ =	swait.ge [sflag:s4], $0x4000  }
0x187: {  	[sflag:s4] =	ssyncset.done $0x0  }
0x188: {  	[sflag:s4] =	ssyncadd.s32 $0xFFFFC000  }
0x189: {  	s18 =	sadd.s32 $0xFFFFFFFF, s28;
	_ =	swait.ge [sflag:s4], $0x4000  }
0x18a: {  	p3 =	sge.u32 s18, s1;
	[sflag:s4] =	ssyncset.done $0x0  }
0x18b: {  	s18 =	simm.s32 @!p3 $0x0;
	[sflag:s4] =	ssyncadd.s32 $0xFFFFC000  }
0x18c: {  	[tilespmem:s18], [sflag:$0x1] =	stream.linear.gather @!p3 [hbm4b:s30+s18], $0x8000, $0x38;
	[tilespmem:$0x1A700] =	vst v63  }
0x18d: {  	s21 =	sadd.s32 @!p3 s29, s0;
	s26 =	simm.s32 @!p3 $0x18000  }
0x18e: {  	[tilespmem:s26], [sflag:$0x1] =	stream.linear.gather @!p3 [hbm4b:s21+s18], $0x80, $0x38;
	[tilespmem:$0x1A700] =	vst v63  }
0x18f: {  	s21 =	sadd.s32 @!p3 $0x10, s21;
	s26 =	simm.s32 @!p3 $0x18080  }
0x190: {  	[tilespmem:s26], [sflag:$0x1] =	stream.linear.gather @!p3 [hbm4b:s21+s18], $0x80, $0x38;
	[tilespmem:$0x1A700] =	vst v63  }
.LBB2_12:
0x191: {  	s18 =	sadd.s32 $0xFFFFFFFE, s28  }
0x192: {  	p3 =	sge.u32 s18, s1  }
.Ltmp9:
0x193: {  	_ = 	snop;
	(pc) =	sbr.rel @p3 .LBB2_14-.Ltmp9, $1  }
0x194: {  	_ =	sdelay $0x3  }
0x195: {  	_ =	swait.ge [sflag:s5], $0x8000  }
0x196: {  	[sflag:s5] =	ssyncset.done $0x0  }
0x197: {  	[sflag:s5] =	ssyncadd.s32 $0xFFFF8000  }
0x198: {  	_ =	swait.ge [sflag:s5], $0x80  }
0x199: {  	[sflag:s5] =	ssyncset.done $0x0  }
0x19a: {  	[sflag:s5] =	ssyncadd.s32 $0xFFFFFF80  }
0x19b: {  	_ =	swait.ge [sflag:s5], $0x80  }
0x19c: {  	[sflag:s5] =	ssyncset.done $0x0  }
0x19d: {  	[sflag:s5] =	ssyncadd.s32 $0xFFFFFF80  }
0x19e: {  	[spmem:s20] =	stream.indirect.scatter.add.f32 [tilespmem:s9], [sflag:$0x6], $0x80, s6, s14, $0xb8;
	[tilespmem:$0x1A700] =	vst v63  }
0x19f: {  	_ = 	snop  }
0x1a0: {  	[spmem:s20] =	stream.indirect.scatter.add.f32 [tilespmem:s11], [sflag:$0x6], $0x80, s10, s14, $0xb8;
	[tilespmem:$0x1A700] =	vst v63  }
0x1a1: {  	v2 =	vld [tilespmem:$0x18200];
	_ =	sdelay $0x7  }
0x1a2: {  	[tilespmem:v2+s3+$0x0] =	vst.idx.add.f32.msk $0xffff, v1  }
0x1a3: {  	v2 =	vld [tilespmem:$0x18210];
	_ =	sdelay $0x7  }
0x1a4: {  	[tilespmem:v2+s3+$0x0] =	vst.idx.add.f32.msk $0xffff, v1  }
0x1a5: {  	v2 =	vld [tilespmem:$0x18220];
	_ =	sdelay $0x7  }
0x1a6: {  	[tilespmem:v2+s3+$0x0] =	vst.idx.add.f32.msk $0xffff, v1  }
0x1a7: {  	v2 =	vld [tilespmem:$0x18230];
	_ =	sdelay $0x7  }
0x1a8: {  	[tilespmem:v2+s3+$0x0] =	vst.idx.add.f32.msk $0xffff, v1  }
0x1a9: {  	v2 =	vld [tilespmem:$0x18240];
	_ =	sdelay $0x7  }
0x1aa: {  	[tilespmem:v2+s3+$0x0] =	vst.idx.add.f32.msk $0xffff, v1  }
0x1ab: {  	v2 =	vld [tilespmem:$0x18250];
	_ =	sdelay $0x7  }
0x1ac: {  	[tilespmem:v2+s3+$0x0] =	vst.idx.add.f32.msk $0xffff, v1  }
0x1ad: {  	v2 =	vld [tilespmem:$0x18260];
	_ =	sdelay $0x7  }
0x1ae: {  	[tilespmem:v2+s3+$0x0] =	vst.idx.add.f32.msk $0xffff, v1  }
0x1af: {  	v2 =	vld [tilespmem:$0x18270];
	_ =	sdelay $0x7  }
0x1b0: {  	[tilespmem:v2+s3+$0x0] =	vst.idx.add.f32.msk $0xffff, v1  }
0x1b1: {  	v2 =	vld [tilespmem:$0x18280];
	_ =	sdelay $0x7  }
0x1b2: {  	[tilespmem:v2+s3+$0x0] =	vst.idx.add.f32.msk $0xffff, v1  }
0x1b3: {  	v2 =	vld [tilespmem:$0x18290];
	_ =	sdelay $0x7  }
0x1b4: {  	[tilespmem:v2+s3+$0x0] =	vst.idx.add.f32.msk $0xffff, v1  }
0x1b5: {  	v2 =	vld [tilespmem:$0x182A0];
	_ =	sdelay $0x7  }
0x1b6: {  	[tilespmem:v2+s3+$0x0] =	vst.idx.add.f32.msk $0xffff, v1  }
0x1b7: {  	v2 =	vld [tilespmem:$0x182B0];
	_ =	sdelay $0x7  }
0x1b8: {  	[tilespmem:v2+s3+$0x0] =	vst.idx.add.f32.msk $0xffff, v1  }
0x1b9: {  	v2 =	vld [tilespmem:$0x182C0];
	_ =	sdelay $0x7  }
0x1ba: {  	[tilespmem:v2+s3+$0x0] =	vst.idx.add.f32.msk $0xffff, v1  }
0x1bb: {  	v2 =	vld [tilespmem:$0x182D0];
	_ =	sdelay $0x7  }
0x1bc: {  	[tilespmem:v2+s3+$0x0] =	vst.idx.add.f32.msk $0xffff, v1  }
0x1bd: {  	v2 =	vld [tilespmem:$0x182E0];
	_ =	sdelay $0x7  }
0x1be: {  	[tilespmem:v2+s3+$0x0] =	vst.idx.add.f32.msk $0xffff, v1  }
0x1bf: {  	v2 =	vld [tilespmem:$0x182F0];
	_ =	sdelay $0x7  }
0x1c0: {  	[tilespmem:v2+s3+$0x0] =	vst.idx.add.f32.msk $0xffff, v1  }
0x1c1: {  	_ =	swait.ge [sflag:s12], $0x4000  }
0x1c2: {  	[sflag:s12] =	ssyncset.done $0x0  }
0x1c3: {  	[sflag:s12] =	ssyncadd.s32 $0xFFFFC000  }
0x1c4: {  	_ =	swait.ge [sflag:s12], $0x4000  }
0x1c5: {  	p3 =	sge.u32 s28, s1;
	[sflag:s12] =	ssyncset.done $0x0  }
0x1c6: {  	s18 =	simm.s32 @!p3 $0x0;
	s21 =	simm.s32 @!p3 $0x8000;
	[sflag:s12] =	ssyncadd.s32 $0xFFFFC000  }
0x1c7: {  	[tilespmem:s21], [sflag:$0x2] =	stream.linear.gather @!p3 [hbm4b:s23+s18], $0x8000, $0x38;
	[tilespmem:$0x1A700] =	vst v63  }
.Ltmp10:
0x1c8: {  	_ = 	snop;
	(pc) =	sbr.rel .LBB2_14-.Ltmp10, $4  }
0x1c9: {  	s26 =	simm.s32 @!p3 $0x18100;
	s21 =	sadd.s32 @!p3 s29, s19  }
0x1ca: {  	[tilespmem:s26], [sflag:$0x2] =	stream.linear.gather @!p3 [hbm4b:s21+s18], $0x80, $0x38;
	[tilespmem:$0x1A700] =	vst v63  }
0x1cb: {  	s21 =	sadd.s32 @!p3 $0x10, s21;
	s26 =	simm.s32 @!p3 $0x18180  }
0x1cc: {  	[tilespmem:s26], [sflag:$0x2] =	stream.linear.gather @!p3 [hbm4b:s21+s18], $0x80, $0x38;
	[tilespmem:$0x1A700] =	vst v63  }
.LBB2_15:
.Ltmp11:
0x1cd: {  	(pc) =	sbr.rel @p5 .LBB2_16-.Ltmp11, $1  }
0x1ce: {  	_ =	sdelay $0x3  }
0x1cf: {  	s7 =	sld [smem:$0x7FC];
	_ =	sdelay $0x2  }
0x1d0: {  	p3 =	seq.s32 s7, $0x1  }
.Ltmp12:
0x1d1: {  	_ = 	snop;
	(pc) =	sbr.rel @p3 .LBB2_20-.Ltmp12, $2  }
0x1d2: {  	_ =	sdelay $0x2  }
0x1d3: {  	s18 =	rddreg [dreg:$0x18];
	s21 =	simm.s32 $0x7  }
0x1d4: {  	s7 =	sld [smem:$0x7FD];
	_ =	sdelay $0x2  }
0x1d5: {  	p3 =	seq.s32 s7, $0x1  }
.Ltmp13:
0x1d6: {  	_ = 	snop;
	(pc) =	sbr.rel @p3 .LBB2_22-.Ltmp13, $2  }
0x1d7: {  	_ =	sdelay $0x2  }
0x1d8: {  	s26 =	rddreg [dreg:$0x1f]  }
.Ltmp14:
0x1d9: {  	(pc) =	sbr.rel .LBB2_21-.Ltmp14, $2  }
0x1da: {  	_ =	sdelay $0x2  }
0x1db: {  	s7 =	simm.s32 $0x5  }
.LBB2_16:
.Ltmp15:
0x1dc: {  	(pc) =	sbr.rel .LBB2_21-.Ltmp15, $2  }
0x1dd: {  	_ =	sdelay $0x2  }
0x1de: {  	s7 =	simm.s32 $0x4;
	s18 =	rddreg [dreg:$0x18];
	s21 =	simm.s32 $0x7  }
.LBB2_23:
0x1df: {  	_ =	sfence.sel $0x180000  }
0x1e0: {  	[bflag:$0x0] =	sbarrier.arrive $0xFFFF  }
0x1e1: {  	_ =	strace $0x90000047  }
0x1e2: {  	s0 =	stileid.u32;
	[bflag:$0x2] =	sbarrier.arrive $0xFFFF  }
0x1e3: {  	p0 =	sne.s32 s0, $0x0;
	s0 =	rddreg [dreg:$0x5]  }
0x1e4: {  	s0 =	sadd.s32 @!p0 $0x100000, s0  }
0x1e5: {  	[sflag:s0] =	ssyncadd.tile.s32 @!p0 $0x1;
	_ =	shalt  }
.Lfunc_end2:
_tile_overlayer_lowered:
.L_overlay_start_2:
0x1e6: {  	(tag) =	ssettag $0x2  }
0x1e7: {  	s0 =	rddreg [dreg:$0x0];
	s2 =	stileid.u32  }
0x1e8: {  	s1 =	rddreg [dreg:$0x1];
	p0 =	sne.s32 s2, $0x0  }
0x1e9: {  	s3 =	rddreg [dreg:$0x2];
	[bflag:$0x3] =	sbarrier.arrive $0xFFFF;
	s2 =	simm.s32 @!p0 $0x1C07  }
0x1ea: {  	[timem:s3], [sflag:s2] =	dma.local @!p0 [hbm:s0], s1  }
0x1eb: {  	s0 =	simm.s32 @!p0 $0x7  }
0x1ec: {  	_ =	swait.ge @!p0 [sflag:s0], s1  }
0x1ed: {  	s1 =	ssub.s32 @!p0 $0x0, s1;
	[sflag:s0] =	ssyncset.done @!p0 $0x0  }
0x1ee: {  	[sflag:s0] =	ssyncadd.s32 @!p0 s1  }
0x1ef: {  	[bflag:$0x3] =	sbarrier.arrive $0xFFFF  }
0x1f0: {  	_ =	shalt  }

</sc_bundles>
